<compile_context>
chip_gen: v7x
topology: tpu7x:2x2x1
jax: 0.10.2.dev20260603
libtpu: 0.0.44.dev20260713+nightly
codegen_flags: <defaults>
</compile_context>

<pallas_src>
import functools

import jax
import jax.numpy as jnp
from jax import lax
from jax.experimental import pallas as pl
from jax.experimental.pallas import tpu as pltpu
from jax.experimental.pallas import tpu_sc as plsc

_B, _L, _H = 16, 512, 128
_STEPS = 3
_NC, _NS = 2, 16
_NW = _NC * _NS
_ROWS_PER_W = _B * _L // _NW
_CHUNK = 128
_NCH = _ROWS_PER_W // _CHUNK


def _sc_gather(table, idx2d):
    mesh = plsc.VectorSubcoreMesh(core_axis_name="c", subcore_axis_name="s")

    @functools.partial(
        pl.kernel,
        mesh=mesh,
        out_type=jax.ShapeDtypeStruct((_B * _L, _H), jnp.float32),
        scratch_types=[
            pltpu.VMEM((_NCH, _CHUNK), jnp.int32),
            pltpu.VMEM((_ROWS_PER_W, _H), jnp.float32),
            pltpu.SemaphoreType.DMA,
        ],
    )
    def gather_k(table_hbm, idx_hbm, out_hbm, idx_v, rows_v, sem):
        wid = lax.axis_index("s") * _NC + lax.axis_index("c")
        pltpu.sync_copy(idx_hbm.at[pl.ds(wid * _NCH, _NCH)], idx_v)
        copies = [
            pltpu.async_copy(
                table_hbm.at[idx_v.at[j]],
                rows_v.at[pl.ds(j * _CHUNK, _CHUNK)],
                sem,
            )
            for j in range(_NCH)
        ]
        for cp in copies:
            cp.wait()
        pltpu.sync_copy(rows_v, out_hbm.at[pl.ds(wid * _ROWS_PER_W, _ROWS_PER_W)])

    return gather_k(table, idx2d)


_BPP = 4


def _ggnn_body(len_ref, bout_ref, a_ref, h_ref, wmzr_ref, wzrh_ref,
               uh_ref, bias_ref, wout_ref, out_ref):
    g0 = pl.program_id(0)

    wmzr = wmzr_ref[...].astype(jnp.bfloat16)
    wzrh = wzrh_ref[...].astype(jnp.bfloat16)
    uh = uh_ref[...].astype(jnp.bfloat16)
    wout = wout_ref[...].astype(jnp.bfloat16)
    b_msg = bias_ref[0:1, :]
    bz = bias_ref[1:2, :]
    br = bias_ref[2:3, :]
    bh = bias_ref[3:4, :]

    def mm(x, w):
        return jnp.dot(x.astype(jnp.bfloat16), w,
                       preferred_element_type=jnp.float32)

    for j in range(_BPP):
        n = len_ref[g0 * _BPP + j, 0]
        mask = (lax.broadcasted_iota(jnp.int32, (_L, 1), 0)
                < n).astype(jnp.float32)
        h = h_ref[j, :, :] * mask
        a = a_ref[j, :, :]
        inv_deg = 1.0 / jnp.clip(jnp.sum(a, axis=-1, keepdims=True),
                                 1e-6, None)
        ab = a.astype(jnp.bfloat16)
        for _ in range(_STEPS):
            c = mm(h, wmzr)
            x = c[:, :_H]
            m = mm(ab, x) * inv_deg + b_msg
            g = mm(m, wzrh)
            z = 0.5 * jnp.tanh(0.5 * (g[:, :_H] + c[:, _H:2 * _H] + bz)) + 0.5
            r = 0.5 * jnp.tanh(0.5 * (g[:, _H:2 * _H] + c[:, 2 * _H:] + br)) + 0.5
            hh = jnp.tanh(g[:, 2 * _H:] + mm(r * h, uh) + bh)
            h = ((1.0 - z) * h + z * hh) * mask
        out_ref[j, :, :] = mm(h, wout) + bout_ref[0]


def _tc_ggnn(adj, h0, seq_len, Wmzr, Wzrh, Uh, biases, W_out, b_out):
    return pl.pallas_call(
        _ggnn_body,
        grid=(_B // _BPP,),
        in_specs=[
            pl.BlockSpec(memory_space=pltpu.SMEM),
            pl.BlockSpec(memory_space=pltpu.SMEM),
            pl.BlockSpec((_BPP, _L, _L), lambda b: (b, 0, 0)),
            pl.BlockSpec((_BPP, _L, _H), lambda b: (b, 0, 0)),
            pl.BlockSpec((_H, 3 * _H), lambda b: (0, 0)),
            pl.BlockSpec((_H, 3 * _H), lambda b: (0, 0)),
            pl.BlockSpec((_H, _H), lambda b: (0, 0)),
            pl.BlockSpec((4, _H), lambda b: (0, 0)),
            pl.BlockSpec((_H, 1), lambda b: (0, 0)),
        ],
        out_specs=pl.BlockSpec((_BPP, _L, 1), lambda b: (b, 0, 0)),
        out_shape=jax.ShapeDtypeStruct((_B, _L, 1), jnp.float32),
        compiler_params=pltpu.CompilerParams(
            dimension_semantics=("arbitrary",),
        ),
    )(seq_len, b_out, adj, h0, Wmzr, Wzrh, Uh, biases, W_out)


def kernel(adjacent_matrix, inp_seq, inp_seq_len, embedding, W_msg, b_msg,
           Wz, Uz, bz, Wr, Ur, br, Wh, Uh, bh, W_out, b_out):
    idx2d = inp_seq.astype(jnp.int32).reshape(_NW * _NCH, _CHUNK)
    h_flat = _sc_gather(embedding, idx2d)
    h0 = h_flat.reshape(_B, _L, _H)
    biases = jnp.stack([b_msg, bz, br, bh])
    Wmzr = jnp.concatenate([W_msg, Uz, Ur], axis=1)
    Wzrh = jnp.concatenate([Wz, Wr, Wh], axis=1)
    seq_len = inp_seq_len.astype(jnp.int32).reshape(_B, 1)
    out3 = _tc_ggnn(adjacent_matrix, h0, seq_len, Wmzr, Wzrh, Uh,
                    biases, W_out, b_out)
    return out3.reshape(_B, _L)

# --- scband reference (transcript-rebuilt; emitter-appended) ---
"""Pipeline reference for scband-error-detector-model-66692252172659 (READ-ONLY COPY).

The authoritative reference and input builder live on the scoring server;
editing this copy changes nothing except your own understanding.
"""

import jax, jax.numpy as jnp
import numpy as np

HIDDEN = 128
VOCAB = 100000
STEPS = 3  # graph_parameter: number of GGNN propagation steps
B, L = 16, 512


def setup_inputs(seed: int = 0) -> dict:
    key = jax.random.key(seed)
    ks = jax.random.split(key, 20)

    def p(k, shape, scale=0.02):
        return jax.random.normal(k, shape, dtype=jnp.float32) * scale

    inp = {}
    inp["adjacent_matrix"] = jax.random.uniform(ks[0], (B, L, L), dtype=jnp.float32)
    inp["inp_seq"] = jax.random.randint(ks[1], (B, L), 0, VOCAB)
    inp["inp_seq_len"] = jnp.maximum(jax.random.randint(ks[2], (B,), 0, 512), 1)
    # learned parameters (nn.Embedding + GGNN graph encoder + output head)
    inp["embedding"] = p(ks[3], (VOCAB, HIDDEN))
    inp["W_msg"] = p(ks[4], (HIDDEN, HIDDEN))
    inp["b_msg"] = jnp.zeros((HIDDEN,), jnp.float32)
    inp["Wz"] = p(ks[5], (HIDDEN, HIDDEN))
    inp["Uz"] = p(ks[6], (HIDDEN, HIDDEN))
    inp["bz"] = jnp.zeros((HIDDEN,), jnp.float32)
    inp["Wr"] = p(ks[7], (HIDDEN, HIDDEN))
    inp["Ur"] = p(ks[8], (HIDDEN, HIDDEN))
    inp["br"] = jnp.zeros((HIDDEN,), jnp.float32)
    inp["Wh"] = p(ks[9], (HIDDEN, HIDDEN))
    inp["Uh"] = p(ks[10], (HIDDEN, HIDDEN))
    inp["bh"] = jnp.zeros((HIDDEN,), jnp.float32)
    inp["W_out"] = p(ks[11], (HIDDEN, 1))
    inp["b_out"] = jnp.zeros((1,), jnp.float32)
    return inp


def reference(adjacent_matrix, inp_seq, inp_seq_len, embedding, W_msg, b_msg,
              Wz, Uz, bz, Wr, Ur, br, Wh, Uh, bh, W_out, b_out):
    # --- GraphEncoder (do_embedding=True): token embedding lookup ---
    h = jnp.take(embedding, inp_seq, axis=0)  # [B, L, H]
    mask = (jnp.arange(h.shape[1])[None, :] < inp_seq_len[:, None]).astype(h.dtype)[..., None]
    h = h * mask
    # row-normalized adjacency
    a = adjacent_matrix
    deg = jnp.clip(jnp.sum(a, axis=-1, keepdims=True), 1e-6, None)
    a = a / deg
    # GGNN propagation with GRU-style node updates
    for _ in range(STEPS):
        m = jnp.einsum('bij,bjh->bih', a, h @ W_msg) + b_msg
        z = jax.nn.sigmoid(m @ Wz + h @ Uz + bz)
        r = jax.nn.sigmoid(m @ Wr + h @ Ur + br)
        hh = jnp.tanh(m @ Wh + (r * h) @ Uh + bh)
        h = (1.0 - z) * h + z * hh
        h = h * mask
    encoder_logit = h  # [B, L, H]
    # --- output head: Linear(hidden, 1).squeeze(-1) ---
    output_logit = jnp.squeeze(encoder_logit @ W_out + b_out, axis=-1)  # [B, L]
    return output_logit

if __name__ == "__main__":
    import jax
    _d = setup_inputs()
    print(jax.jit(kernel)(*tuple(_d.values())))

</pallas_src>

<mosaic_0001>
#map = affine_map<(d0, d1) -> (0, 0)>
module attributes {stable_mosaic.version = 14 : i64} {
  func.func @gather_k(%arg0: i32, %arg1: i32, %arg2: memref<100000x128xf32, #tpu.memory_space<hbm>>, %arg3: memref<64x128xi32, #tpu.memory_space<hbm>>, %arg4: memref<8192x128xf32, #tpu.memory_space<hbm>>, %arg5: memref<2x128xi32, #tpu.memory_space<vmem>>, %arg6: memref<256x128xf32, #tpu.memory_space<vmem>>, %arg7: memref<!tpu.dma_semaphore, #tpu.memory_space<semaphore_mem>>) attributes {dimension_semantics = [#tpu.dimension_semantics<core_parallel>, #tpu.dimension_semantics<subcore_parallel>], iteration_bounds = array<i64: 2, 16>, scalar_prefetch = 0 : i64, scratch_operands = 3 : i64, tpu.core_type = #tpu.core_type<sc_vector_subcore>, window_params = [{transform_indices = #map}, {transform_indices = #map}, {transform_indices = #map}]} {
    %mul3A = arith.constant 2 : i32
    %mul3A_0 = arith.muli %arg1, %mul3A : i32
    %add3A = arith.addi %mul3A_0, %arg0 : i32
    %mul3A_1 = arith.constant 2 : i32
    %mul3A_2 = arith.muli %add3A, %mul3A_1 : i32
    "tpu.region"() ({
      %run_scoped3A = tpu.sem_alloc : memref<!tpu.dma_semaphore, #tpu.memory_space<semaphore_mem>>
      %dma_start3A_43 = arith.constant 0 : i32
      %dma_start3A_44 = tpu.memref_slice %arg3[%mul3A_2, %dma_start3A_43] : memref<64x128xi32, #tpu.memory_space<hbm>> -> memref<2x128xi32, #tpu.memory_space<hbm>>
      %dma_start3A_45 = arith.constant 0 : i32
      %dma_start3A_46 = tpu.memref_slice %arg3[%mul3A_2, %dma_start3A_45] : memref<64x128xi32, #tpu.memory_space<hbm>> -> memref<2x128xi32, #tpu.memory_space<hbm>>
      tpu.enqueue_dma source(%dma_start3A_46 : memref<2x128xi32, #tpu.memory_space<hbm>>) target(%arg5 : memref<2x128xi32, #tpu.memory_space<vmem>>) target_semaphore(%run_scoped3A : memref<!tpu.dma_semaphore, #tpu.memory_space<semaphore_mem>>)
      %dma_wait3A_47 = arith.constant 0 : i32
      %dma_wait3A_48 = tpu.memref_slice %arg3[%mul3A_2, %dma_wait3A_47] : memref<64x128xi32, #tpu.memory_space<hbm>> -> memref<2x128xi32, #tpu.memory_space<hbm>>
      %dma_wait3A_49 = arith.constant 0 : i32
      %dma_wait3A_50 = tpu.memref_slice %arg3[%mul3A_2, %dma_wait3A_49] : memref<64x128xi32, #tpu.memory_space<hbm>> -> memref<2x128xi32, #tpu.memory_space<hbm>>
      tpu.wait_dma2 semaphore(%run_scoped3A : memref<!tpu.dma_semaphore, #tpu.memory_space<semaphore_mem>>) src(%dma_wait3A_50 : memref<2x128xi32, #tpu.memory_space<hbm>>) dst(%arg5 : memref<2x128xi32, #tpu.memory_space<vmem>>)
      tpu.yield
    }) : () -> ()
    %dma_start3A = arith.constant 0 : i32
    %dma_start3A_3 = arith.constant 0 : i32
    %dma_start3A_4 = arith.constant 0 : i32
    %dma_start3A_5 = tpu.memref_slice %arg6[%dma_start3A_3, %dma_start3A_4] : memref<256x128xf32, #tpu.memory_space<vmem>> -> memref<128x128xf32, #tpu.memory_space<vmem>>
    %dma_start3A_6 = arith.constant 0 : i32
    %dma_start3A_7 = tpu.memref_slice %arg5[%dma_start3A, %dma_start3A_6] : memref<2x128xi32, #tpu.memory_space<vmem>> -> memref<1x128xi32, #tpu.memory_space<vmem>>
    %dma_start3A_8 = tpu.memref_squeeze %dma_start3A_7 : memref<1x128xi32, #tpu.memory_space<vmem>> -> memref<128xi32, #tpu.memory_space<vmem>>
    %dma_start3A_9 = arith.constant 0 : i32
    %dma_start3A_10 = arith.constant 0 : i32
    %dma_start3A_11 = tpu.memref_slice %arg2[%dma_start3A_9, %dma_start3A_10] : memref<100000x128xf32, #tpu.memory_space<hbm>> -> memref<100000x128xf32, #tpu.memory_space<hbm>>
    tpu.enqueue_indirect_dma source(%dma_start3A_11 : memref<100000x128xf32, #tpu.memory_space<hbm>>) target(%dma_start3A_5 : memref<128x128xf32, #tpu.memory_space<vmem>>) offsets(%dma_start3A_8 : memref<128xi32, #tpu.memory_space<vmem>>) semaphore(%arg7 : memref<!tpu.dma_semaphore, #tpu.memory_space<semaphore_mem>>)
    %dma_start3A_12 = arith.constant 1 : i32
    %dma_start3A_13 = arith.constant 128 : i32
    %dma_start3A_14 = arith.constant 0 : i32
    %dma_start3A_15 = tpu.memref_slice %arg6[%dma_start3A_13, %dma_start3A_14] : memref<256x128xf32, #tpu.memory_space<vmem>> -> memref<128x128xf32, #tpu.memory_space<vmem>>
    %dma_start3A_16 = arith.constant 0 : i32
    %dma_start3A_17 = tpu.memref_slice %arg5[%dma_start3A_12, %dma_start3A_16] : memref<2x128xi32, #tpu.memory_space<vmem>> -> memref<1x128xi32, #tpu.memory_space<vmem>>
    %dma_start3A_18 = tpu.memref_squeeze %dma_start3A_17 : memref<1x128xi32, #tpu.memory_space<vmem>> -> memref<128xi32, #tpu.memory_space<vmem>>
    %dma_start3A_19 = arith.constant 0 : i32
    %dma_start3A_20 = arith.constant 0 : i32
    %dma_start3A_21 = tpu.memref_slice %arg2[%dma_start3A_19, %dma_start3A_20] : memref<100000x128xf32, #tpu.memory_space<hbm>> -> memref<100000x128xf32, #tpu.memory_space<hbm>>
    tpu.enqueue_indirect_dma source(%dma_start3A_21 : memref<100000x128xf32, #tpu.memory_space<hbm>>) target(%dma_start3A_15 : memref<128x128xf32, #tpu.memory_space<vmem>>) offsets(%dma_start3A_18 : memref<128xi32, #tpu.memory_space<vmem>>) semaphore(%arg7 : memref<!tpu.dma_semaphore, #tpu.memory_space<semaphore_mem>>)
    %dma_wait3A = arith.constant 0 : i32
    %dma_wait3A_22 = arith.constant 0 : i32
    %dma_wait3A_23 = arith.constant 0 : i32
    %dma_wait3A_24 = tpu.memref_slice %arg6[%dma_wait3A_22, %dma_wait3A_23] : memref<256x128xf32, #tpu.memory_space<vmem>> -> memref<128x128xf32, #tpu.memory_space<vmem>>
    %dma_wait3A_25 = arith.constant 0 : i32
    %dma_wait3A_26 = tpu.memref_slice %arg5[%dma_wait3A, %dma_wait3A_25] : memref<2x128xi32, #tpu.memory_space<vmem>> -> memref<1x128xi32, #tpu.memory_space<vmem>>
    %dma_wait3A_27 = tpu.memref_squeeze %dma_wait3A_26 : memref<1x128xi32, #tpu.memory_space<vmem>> -> memref<128xi32, #tpu.memory_space<vmem>>
    %dma_wait3A_28 = arith.constant 0 : i32
    %dma_wait3A_29 = arith.constant 0 : i32
    %dma_wait3A_30 = tpu.memref_slice %arg2[%dma_wait3A_28, %dma_wait3A_29] : memref<100000x128xf32, #tpu.memory_space<hbm>> -> memref<100000x128xf32, #tpu.memory_space<hbm>>
    tpu.wait_indirect_dma semaphore(%arg7 : memref<!tpu.dma_semaphore, #tpu.memory_space<semaphore_mem>>) src(%dma_wait3A_30 : memref<100000x128xf32, #tpu.memory_space<hbm>>) dst(%dma_wait3A_24 : memref<128x128xf32, #tpu.memory_space<vmem>>)
    %dma_wait3A_31 = arith.constant 1 : i32
    %dma_wait3A_32 = arith.constant 128 : i32
    %dma_wait3A_33 = arith.constant 0 : i32
    %dma_wait3A_34 = tpu.memref_slice %arg6[%dma_wait3A_32, %dma_wait3A_33] : memref<256x128xf32, #tpu.memory_space<vmem>> -> memref<128x128xf32, #tpu.memory_space<vmem>>
    %dma_wait3A_35 = arith.constant 0 : i32
    %dma_wait3A_36 = tpu.memref_slice %arg5[%dma_wait3A_31, %dma_wait3A_35] : memref<2x128xi32, #tpu.memory_space<vmem>> -> memref<1x128xi32, #tpu.memory_space<vmem>>
    %dma_wait3A_37 = tpu.memref_squeeze %dma_wait3A_36 : memref<1x128xi32, #tpu.memory_space<vmem>> -> memref<128xi32, #tpu.memory_space<vmem>>
    %dma_wait3A_38 = arith.constant 0 : i32
    %dma_wait3A_39 = arith.constant 0 : i32
    %dma_wait3A_40 = tpu.memref_slice %arg2[%dma_wait3A_38, %dma_wait3A_39] : memref<100000x128xf32, #tpu.memory_space<hbm>> -> memref<100000x128xf32, #tpu.memory_space<hbm>>
    tpu.wait_indirect_dma semaphore(%arg7 : memref<!tpu.dma_semaphore, #tpu.memory_space<semaphore_mem>>) src(%dma_wait3A_40 : memref<100000x128xf32, #tpu.memory_space<hbm>>) dst(%dma_wait3A_34 : memref<128x128xf32, #tpu.memory_space<vmem>>)
    %mul3A_41 = arith.constant 256 : i32
    %mul3A_42 = arith.muli %add3A, %mul3A_41 : i32
    "tpu.region"() ({
      %run_scoped3A = tpu.sem_alloc : memref<!tpu.dma_semaphore, #tpu.memory_space<semaphore_mem>>
      %dma_start3A_43 = arith.constant 0 : i32
      %dma_start3A_44 = tpu.memref_slice %arg4[%mul3A_42, %dma_start3A_43] : memref<8192x128xf32, #tpu.memory_space<hbm>> -> memref<256x128xf32, #tpu.memory_space<hbm>>
      %dma_start3A_45 = arith.constant 0 : i32
      %dma_start3A_46 = tpu.memref_slice %arg4[%mul3A_42, %dma_start3A_45] : memref<8192x128xf32, #tpu.memory_space<hbm>> -> memref<256x128xf32, #tpu.memory_space<hbm>>
      tpu.enqueue_dma source(%arg6 : memref<256x128xf32, #tpu.memory_space<vmem>>) target(%dma_start3A_46 : memref<256x128xf32, #tpu.memory_space<hbm>>) target_semaphore(%run_scoped3A : memref<!tpu.dma_semaphore, #tpu.memory_space<semaphore_mem>>)
      %dma_wait3A_47 = arith.constant 0 : i32
      %dma_wait3A_48 = tpu.memref_slice %arg4[%mul3A_42, %dma_wait3A_47] : memref<8192x128xf32, #tpu.memory_space<hbm>> -> memref<256x128xf32, #tpu.memory_space<hbm>>
      %dma_wait3A_49 = arith.constant 0 : i32
      %dma_wait3A_50 = tpu.memref_slice %arg4[%mul3A_42, %dma_wait3A_49] : memref<8192x128xf32, #tpu.memory_space<hbm>> -> memref<256x128xf32, #tpu.memory_space<hbm>>
      tpu.wait_dma2 semaphore(%run_scoped3A : memref<!tpu.dma_semaphore, #tpu.memory_space<semaphore_mem>>) src(%arg6 : memref<256x128xf32, #tpu.memory_space<vmem>>) dst(%dma_wait3A_50 : memref<256x128xf32, #tpu.memory_space<hbm>>)
      tpu.yield
    }) : () -> ()
    return
  }
}

module attributes {stable_mosaic.version = 14 : i64} {
  func.func @_ggnn_body(%arg0: i32, %arg1: memref<16x1xi32, #tpu.memory_space<smem>>, %arg2: memref<1xf32, #tpu.memory_space<smem>>, %arg3: memref<4x512x512xf32, #tpu.memory_space<vmem>>, %arg4: memref<4x512x128xf32, #tpu.memory_space<vmem>>, %arg5: memref<128x384xf32, #tpu.memory_space<vmem>>, %arg6: memref<128x384xf32, #tpu.memory_space<vmem>>, %arg7: memref<128x128xf32, #tpu.memory_space<vmem>>, %arg8: memref<4x128xf32, #tpu.memory_space<vmem>>, %arg9: memref<128x1xf32, #tpu.memory_space<vmem>>, %arg10: memref<4x512x1xf32, #tpu.memory_space<vmem>>) attributes {dimension_semantics = [#tpu.dimension_semantics<arbitrary>], iteration_bounds = array<i64: 4>, scalar_prefetch = 0 : i64, scratch_operands = 0 : i64, tpu.core_type = #tpu.core_type<tc>, window_params = [{transform_indices = @transform_0, window_bounds = array<i64: 16, 1>}, {transform_indices = @transform_1, window_bounds = array<i64: 1>}, {transform_indices = @transform_2, window_bounds = array<i64: 4, 512, 512>}, {transform_indices = @transform_3, window_bounds = array<i64: 4, 512, 128>}, {pipeline_mode = #tpu.pipeline_mode<synchronous>, transform_indices = @transform_4, window_bounds = array<i64: 128, 384>}, {pipeline_mode = #tpu.pipeline_mode<synchronous>, transform_indices = @transform_5, window_bounds = array<i64: 128, 384>}, {pipeline_mode = #tpu.pipeline_mode<synchronous>, transform_indices = @transform_6, window_bounds = array<i64: 128, 128>}, {pipeline_mode = #tpu.pipeline_mode<synchronous>, transform_indices = @transform_7, window_bounds = array<i64: 4, 128>}, {pipeline_mode = #tpu.pipeline_mode<synchronous>, transform_indices = @transform_8, window_bounds = array<i64: 128, 1>}, {transform_indices = @transform_9, window_bounds = array<i64: 4, 512, 1>}]} {
    %get3A = arith.constant 0 : index
    %get3A_0 = arith.constant 0 : index
    %get3A_1 = vector.load %arg5[%get3A, %get3A_0] : memref<128x384xf32, #tpu.memory_space<vmem>>, vector<128x384xf32>
    %convert_element_type3A = arith.truncf %get3A_1 : vector<128x384xf32> to vector<128x384xbf16>
    %get3A_2 = arith.constant 0 : index
    %get3A_3 = arith.constant 0 : index
    %get3A_4 = vector.load %arg6[%get3A_2, %get3A_3] : memref<128x384xf32, #tpu.memory_space<vmem>>, vector<128x384xf32>
    %convert_element_type3A_5 = arith.truncf %get3A_4 : vector<128x384xf32> to vector<128x384xbf16>
    %get3A_6 = arith.constant 0 : index
    %get3A_7 = arith.constant 0 : index
    %get3A_8 = vector.load %arg7[%get3A_6, %get3A_7] : memref<128x128xf32, #tpu.memory_space<vmem>>, vector<128x128xf32>
    %convert_element_type3A_9 = arith.truncf %get3A_8 : vector<128x128xf32> to vector<128x128xbf16>
    %get3A_10 = arith.constant 0 : index
    %get3A_11 = arith.constant 0 : index
    %get3A_12 = vector.load %arg9[%get3A_10, %get3A_11] : memref<128x1xf32, #tpu.memory_space<vmem>>, vector<128x1xf32>
    %convert_element_type3A_13 = arith.truncf %get3A_12 : vector<128x1xf32> to vector<128x1xbf16>
    %get3A_14 = arith.constant 0 : index
    %get3A_15 = arith.constant 0 : index
    %get3A_16 = vector.load %arg8[%get3A_14, %get3A_15] : memref<4x128xf32, #tpu.memory_space<vmem>>, vector<1x128xf32>
    %get3A_17 = arith.constant 1 : index
    %get3A_18 = arith.constant 0 : index
    %get3A_19 = vector.load %arg8[%get3A_17, %get3A_18] : memref<4x128xf32, #tpu.memory_space<vmem>>, vector<1x128xf32>
    %get3A_20 = arith.constant 2 : index
    %get3A_21 = arith.constant 0 : index
    %get3A_22 = vector.load %arg8[%get3A_20, %get3A_21] : memref<4x128xf32, #tpu.memory_space<vmem>>, vector<1x128xf32>
    %get3A_23 = arith.constant 3 : index
    %get3A_24 = arith.constant 0 : index
    %get3A_25 = vector.load %arg8[%get3A_23, %get3A_24] : memref<4x128xf32, #tpu.memory_space<vmem>>, vector<1x128xf32>
    %mul3A = arith.constant 4 : i32
    %mul3A_26 = arith.muli %arg0, %mul3A : i32
    %add3A = arith.constant 0 : i32
    %add3A_27 = arith.addi %mul3A_26, %add3A : i32
    %get3A_28 = arith.index_cast %add3A_27 : i32 to index
    %get3A_29 = arith.constant 0 : index
    %get3A_30 = memref.load %arg1[%get3A_28, %get3A_29] : memref<16x1xi32, #tpu.memory_space<smem>>
    %iota3A = tpu.iota {dimensions = array<i32: 0>} : vector<512x1xi32>
    %lt3A = vector.broadcast %get3A_30 : i32 to vector<512x1xi32>
    %lt3A_31 = arith.cmpi slt, %iota3A, %lt3A : vector<512x1xi32>
    %convert_element_type3A_32 = arith.extui %lt3A_31 : vector<512x1xi1> to vector<512x1xi32>
    %convert_element_type3A_33 = arith.sitofp %convert_element_type3A_32 : vector<512x1xi32> to vector<512x1xf32>
    %get3A_34 = arith.constant 0 : index
    %get3A_35 = arith.constant 0 : index
    %get3A_36 = arith.constant 0 : index
    %get3A_37 = vector.load %arg4[%get3A_34, %get3A_35, %get3A_36] : memref<4x512x128xf32, #tpu.memory_space<vmem>>, vector<1x512x128xf32>
    %get3A_38 = vector.shape_cast %get3A_37 : vector<1x512x128xf32> to vector<512x128xf32>
    %mul3A_39 = vector.broadcast %convert_element_type3A_33 : vector<512x1xf32> to vector<512x128xf32>
    %mul3A_40 = arith.mulf %get3A_38, %mul3A_39 : vector<512x128xf32>
    %get3A_41 = arith.constant 0 : index
    %get3A_42 = arith.constant 0 : index
    %get3A_43 = arith.constant 0 : index
    %get3A_44 = vector.load %arg3[%get3A_41, %get3A_42, %get3A_43] : memref<4x512x512xf32, #tpu.memory_space<vmem>>, vector<1x512x512xf32>
    %get3A_45 = vector.shape_cast %get3A_44 : vector<1x512x512xf32> to vector<512x512xf32>
    %reduce_sum3A = arith.constant dense<0.000000e+00> : vector<512xf32>
    %reduce_sum3A_46 = vector.multi_reduction <add>, %get3A_45, %reduce_sum3A [1] : vector<512x512xf32> to vector<512xf32>
    %broadcast_in_dim3A = vector.shape_cast %reduce_sum3A_46 : vector<512xf32> to vector<512x1xf32>
    %jit3A = arith.constant 9.99999997E-7 : f32
    %max3A = vector.broadcast %jit3A : f32 to vector<512x1xf32>
    %max3A_47 = arith.maximumf %max3A, %broadcast_in_dim3A : vector<512x1xf32>
    %div3A = arith.constant 1.000000e+00 : f32
    %div3A_48 = vector.broadcast %div3A : f32 to vector<512x1xf32>
    %div3A_49 = arith.divf %div3A_48, %max3A_47 : vector<512x1xf32>
    %convert_element_type3A_50 = arith.truncf %get3A_45 : vector<512x512xf32> to vector<512x512xbf16>
    %convert_element_type3A_51 = arith.truncf %mul3A_40 : vector<512x128xf32> to vector<512x128xbf16>
    %dot_general3A = arith.constant dense<0.000000e+00> : vector<512x384xf32>
    %dot_general3A_52 = tpu.matmul %convert_element_type3A_51, %convert_element_type3A, %dot_general3A {dimension_numbers = #tpu.dot_dimension_numbers<[1], [0], [0], [1], [0, 0, 1, 1], [], []>, transpose_lhs_hint = false} : vector<512x128xbf16>, vector<128x384xbf16>, vector<512x384xf32> -> vector<512x384xf32>
    %slice3A = vector.extract_strided_slice %dot_general3A_52 {offsets = [0, 0], sizes = [512, 128], strides = [1, 1]} : vector<512x384xf32> to vector<512x128xf32>
    %dot_general3A_53 = arith.constant dense<0.000000e+00> : vector<512x128xf32>
    %dot_general3A_54 = tpu.matmul %convert_element_type3A_50, %slice3A, %dot_general3A_53 {dimension_numbers = #tpu.dot_dimension_numbers<[1], [0], [0], [1], [0, 0, 1, 1], [], []>, transpose_lhs_hint = false} : vector<512x512xbf16>, vector<512x128xf32>, vector<512x128xf32> -> vector<512x128xf32>
    %mul3A_55 = vector.broadcast %div3A_49 : vector<512x1xf32> to vector<512x128xf32>
    %mul3A_56 = arith.mulf %dot_general3A_54, %mul3A_55 : vector<512x128xf32>
    %add3A_57 = vector.broadcast %get3A_16 : vector<1x128xf32> to vector<512x128xf32>
    %add3A_58 = arith.addf %mul3A_56, %add3A_57 : vector<512x128xf32>
    %convert_element_type3A_59 = arith.truncf %add3A_58 : vector<512x128xf32> to vector<512x128xbf16>
    %dot_general3A_60 = arith.constant dense<0.000000e+00> : vector<512x384xf32>
    %dot_general3A_61 = tpu.matmul %convert_element_type3A_59, %convert_element_type3A_5, %dot_general3A_60 {dimension_numbers = #tpu.dot_dimension_numbers<[1], [0], [0], [1], [0, 0, 1, 1], [], []>, transpose_lhs_hint = false} : vector<512x128xbf16>, vector<128x384xbf16>, vector<512x384xf32> -> vector<512x384xf32>
    %slice3A_62 = vector.extract_strided_slice %dot_general3A_61 {offsets = [0, 0], sizes = [512, 128], strides = [1, 1]} : vector<512x384xf32> to vector<512x128xf32>
    %slice3A_63 = vector.extract_strided_slice %dot_general3A_52 {offsets = [0, 128], sizes = [512, 128], strides = [1, 1]} : vector<512x384xf32> to vector<512x128xf32>
    %add3A_64 = arith.addf %slice3A_62, %slice3A_63 : vector<512x128xf32>
    %add3A_65 = vector.broadcast %get3A_19 : vector<1x128xf32> to vector<512x128xf32>
    %add3A_66 = arith.addf %add3A_64, %add3A_65 : vector<512x128xf32>
    %mul3A_67 = arith.constant 5.000000e-01 : f32
    %mul3A_68 = vector.broadcast %mul3A_67 : f32 to vector<512x128xf32>
    %mul3A_69 = arith.mulf %mul3A_68, %add3A_66 : vector<512x128xf32>
    %tanh3A = math.tanh %mul3A_69 : vector<512x128xf32>
    %mul3A_70 = arith.constant 5.000000e-01 : f32
    %mul3A_71 = vector.broadcast %mul3A_70 : f32 to vector<512x128xf32>
    %mul3A_72 = arith.mulf %mul3A_71, %tanh3A : vector<512x128xf32>
    %add3A_73 = arith.constant 5.000000e-01 : f32
    %add3A_74 = vector.broadcast %add3A_73 : f32 to vector<512x128xf32>
    %add3A_75 = arith.addf %mul3A_72, %add3A_74 : vector<512x128xf32>
    %slice3A_76 = vector.extract_strided_slice %dot_general3A_61 {offsets = [0, 128], sizes = [512, 128], strides = [1, 1]} : vector<512x384xf32> to vector<512x128xf32>
    %slice3A_77 = vector.extract_strided_slice %dot_general3A_52 {offsets = [0, 256], sizes = [512, 128], strides = [1, 1]} : vector<512x384xf32> to vector<512x128xf32>
    %add3A_78 = arith.addf %slice3A_76, %slice3A_77 : vector<512x128xf32>
    %add3A_79 = vector.broadcast %get3A_22 : vector<1x128xf32> to vector<512x128xf32>
    %add3A_80 = arith.addf %add3A_78, %add3A_79 : vector<512x128xf32>
    %mul3A_81 = arith.constant 5.000000e-01 : f32
    %mul3A_82 = vector.broadcast %mul3A_81 : f32 to vector<512x128xf32>
    %mul3A_83 = arith.mulf %mul3A_82, %add3A_80 : vector<512x128xf32>
    %tanh3A_84 = math.tanh %mul3A_83 : vector<512x128xf32>
    %mul3A_85 = arith.constant 5.000000e-01 : f32
    %mul3A_86 = vector.broadcast %mul3A_85 : f32 to vector<512x128xf32>
    %mul3A_87 = arith.mulf %mul3A_86, %tanh3A_84 : vector<512x128xf32>
    %add3A_88 = arith.constant 5.000000e-01 : f32
    %add3A_89 = vector.broadcast %add3A_88 : f32 to vector<512x128xf32>
    %add3A_90 = arith.addf %mul3A_87, %add3A_89 : vector<512x128xf32>
    %slice3A_91 = vector.extract_strided_slice %dot_general3A_61 {offsets = [0, 256], sizes = [512, 128], strides = [1, 1]} : vector<512x384xf32> to vector<512x128xf32>
    %mul3A_92 = arith.mulf %add3A_90, %mul3A_40 : vector<512x128xf32>
    %convert_element_type3A_93 = arith.truncf %mul3A_92 : vector<512x128xf32> to vector<512x128xbf16>
    %dot_general3A_94 = arith.constant dense<0.000000e+00> : vector<512x128xf32>
    %dot_general3A_95 = tpu.matmul %convert_element_type3A_93, %convert_element_type3A_9, %dot_general3A_94 {dimension_numbers = #tpu.dot_dimension_numbers<[1], [0], [0], [1], [0, 0, 1, 1], [], []>, transpose_lhs_hint = false} : vector<512x128xbf16>, vector<128x128xbf16>, vector<512x128xf32> -> vector<512x128xf32>
    %add3A_96 = arith.addf %slice3A_91, %dot_general3A_95 : vector<512x128xf32>
    %add3A_97 = vector.broadcast %get3A_25 : vector<1x128xf32> to vector<512x128xf32>
    %add3A_98 = arith.addf %add3A_96, %add3A_97 : vector<512x128xf32>
    %tanh3A_99 = math.tanh %add3A_98 : vector<512x128xf32>
    %sub3A = arith.constant 1.000000e+00 : f32
    %sub3A_100 = vector.broadcast %sub3A : f32 to vector<512x128xf32>
    %sub3A_101 = arith.subf %sub3A_100, %add3A_75 : vector<512x128xf32>
    %mul3A_102 = arith.mulf %sub3A_101, %mul3A_40 : vector<512x128xf32>
    %mul3A_103 = arith.mulf %add3A_75, %tanh3A_99 : vector<512x128xf32>
    %add3A_104 = arith.addf %mul3A_102, %mul3A_103 : vector<512x128xf32>
    %mul3A_105 = vector.broadcast %convert_element_type3A_33 : vector<512x1xf32> to vector<512x128xf32>
    %mul3A_106 = arith.mulf %add3A_104, %mul3A_105 : vector<512x128xf32>
    %convert_element_type3A_107 = arith.truncf %mul3A_106 : vector<512x128xf32> to vector<512x128xbf16>
    %dot_general3A_108 = arith.constant dense<0.000000e+00> : vector<512x384xf32>
    %dot_general3A_109 = tpu.matmul %convert_element_type3A_107, %convert_element_type3A, %dot_general3A_108 {dimension_numbers = #tpu.dot_dimension_numbers<[1], [0], [0], [1], [0, 0, 1, 1], [], []>, transpose_lhs_hint = false} : vector<512x128xbf16>, vector<128x384xbf16>, vector<512x384xf32> -> vector<512x384xf32>
    %slice3A_110 = vector.extract_strided_slice %dot_general3A_109 {offsets = [0, 0], sizes = [512, 128], strides = [1, 1]} : vector<512x384xf32> to vector<512x128xf32>
    %dot_general3A_111 = arith.constant dense<0.000000e+00> : vector<512x128xf32>
    %dot_general3A_112 = tpu.matmul %convert_element_type3A_50, %slice3A_110, %dot_general3A_111 {dimension_numbers = #tpu.dot_dimension_numbers<[1], [0], [0], [1], [0, 0, 1, 1], [], []>, transpose_lhs_hint = false} : vector<512x512xbf16>, vector<512x128xf32>, vector<512x128xf32> -> vector<512x128xf32>
    %mul3A_113 = vector.broadcast %div3A_49 : vector<512x1xf32> to vector<512x128xf32>
    %mul3A_114 = arith.mulf %dot_general3A_112, %mul3A_113 : vector<512x128xf32>
    %add3A_115 = vector.broadcast %get3A_16 : vector<1x128xf32> to vector<512x128xf32>
    %add3A_116 = arith.addf %mul3A_114, %add3A_115 : vector<512x128xf32>
    %convert_element_type3A_117 = arith.truncf %add3A_116 : vector<512x128xf32> to vector<512x128xbf16>
    %dot_general3A_118 = arith.constant dense<0.000000e+00> : vector<512x384xf32>
    %dot_general3A_119 = tpu.matmul %convert_element_type3A_117, %convert_element_type3A_5, %dot_general3A_118 {dimension_numbers = #tpu.dot_dimension_numbers<[1], [0], [0], [1], [0, 0, 1, 1], [], []>, transpose_lhs_hint = false} : vector<512x128xbf16>, vector<128x384xbf16>, vector<512x384xf32> -> vector<512x384xf32>
    %slice3A_120 = vector.extract_strided_slice %dot_general3A_119 {offsets = [0, 0], sizes = [512, 128], strides = [1, 1]} : vector<512x384xf32> to vector<512x128xf32>
    %slice3A_121 = vector.extract_strided_slice %dot_general3A_109 {offsets = [0, 128], sizes = [512, 128], strides = [1, 1]} : vector<512x384xf32> to vector<512x128xf32>
    %add3A_122 = arith.addf %slice3A_120, %slice3A_121 : vector<512x128xf32>
    %add3A_123 = vector.broadcast %get3A_19 : vector<1x128xf32> to vector<512x128xf32>
    %add3A_124 = arith.addf %add3A_122, %add3A_123 : vector<512x128xf32>
    %mul3A_125 = arith.constant 5.000000e-01 : f32
    %mul3A_126 = vector.broadcast %mul3A_125 : f32 to vector<512x128xf32>
    %mul3A_127 = arith.mulf %mul3A_126, %add3A_124 : vector<512x128xf32>
    %tanh3A_128 = math.tanh %mul3A_127 : vector<512x128xf32>
    %mul3A_129 = arith.constant 5.000000e-01 : f32
    %mul3A_130 = vector.broadcast %mul3A_129 : f32 to vector<512x128xf32>
    %mul3A_131 = arith.mulf %mul3A_130, %tanh3A_128 : vector<512x128xf32>
    %add3A_132 = arith.constant 5.000000e-01 : f32
    %add3A_133 = vector.broadcast %add3A_132 : f32 to vector<512x128xf32>
    %add3A_134 = arith.addf %mul3A_131, %add3A_133 : vector<512x128xf32>
    %slice3A_135 = vector.extract_strided_slice %dot_general3A_119 {offsets = [0, 128], sizes = [512, 128], strides = [1, 1]} : vector<512x384xf32> to vector<512x128xf32>
    %slice3A_136 = vector.extract_strided_slice %dot_general3A_109 {offsets = [0, 256], sizes = [512, 128], strides = [1, 1]} : vector<512x384xf32> to vector<512x128xf32>
    %add3A_137 = arith.addf %slice3A_135, %slice3A_136 : vector<512x128xf32>
    %add3A_138 = vector.broadcast %get3A_22 : vector<1x128xf32> to vector<512x128xf32>
    %add3A_139 = arith.addf %add3A_137, %add3A_138 : vector<512x128xf32>
    %mul3A_140 = arith.constant 5.000000e-01 : f32
    %mul3A_141 = vector.broadcast %mul3A_140 : f32 to vector<512x128xf32>
    %mul3A_142 = arith.mulf %mul3A_141, %add3A_139 : vector<512x128xf32>
    %tanh3A_143 = math.tanh %mul3A_142 : vector<512x128xf32>
    %mul3A_144 = arith.constant 5.000000e-01 : f32
    %mul3A_145 = vector.broadcast %mul3A_144 : f32 to vector<512x128xf32>
    %mul3A_146 = arith.mulf %mul3A_145, %tanh3A_143 : vector<512x128xf32>
    %add3A_147 = arith.constant 5.000000e-01 : f32
    %add3A_148 = vector.broadcast %add3A_147 : f32 to vector<512x128xf32>
    %add3A_149 = arith.addf %mul3A_146, %add3A_148 : vector<512x128xf32>
    %slice3A_150 = vector.extract_strided_slice %dot_general3A_119 {offsets = [0, 256], sizes = [512, 128], strides = [1, 1]} : vector<512x384xf32> to vector<512x128xf32>
    %mul3A_151 = arith.mulf %add3A_149, %mul3A_106 : vector<512x128xf32>
    %convert_element_type3A_152 = arith.truncf %mul3A_151 : vector<512x128xf32> to vector<512x128xbf16>
    %dot_general3A_153 = arith.constant dense<0.000000e+00> : vector<512x128xf32>
    %dot_general3A_154 = tpu.matmul %convert_element_type3A_152, %convert_element_type3A_9, %dot_general3A_153 {dimension_numbers = #tpu.dot_dimension_numbers<[1], [0], [0], [1], [0, 0, 1, 1], [], []>, transpose_lhs_hint = false} : vector<512x128xbf16>, vector<128x128xbf16>, vector<512x128xf32> -> vector<512x128xf32>
    %add3A_155 = arith.addf %slice3A_150, %dot_general3A_154 : vector<512x128xf32>
    %add3A_156 = vector.broadcast %get3A_25 : vector<1x128xf32> to vector<512x128xf32>
    %add3A_157 = arith.addf %add3A_155, %add3A_156 : vector<512x128xf32>
    %tanh3A_158 = math.tanh %add3A_157 : vector<512x128xf32>
    %sub3A_159 = arith.constant 1.000000e+00 : f32
    %sub3A_160 = vector.broadcast %sub3A_159 : f32 to vector<512x128xf32>
    %sub3A_161 = arith.subf %sub3A_160, %add3A_134 : vector<512x128xf32>
    %mul3A_162 = arith.mulf %sub3A_161, %mul3A_106 : vector<512x128xf32>
    %mul3A_163 = arith.mulf %add3A_134, %tanh3A_158 : vector<512x128xf32>
    %add3A_164 = arith.addf %mul3A_162, %mul3A_163 : vector<512x128xf32>
    %mul3A_165 = vector.broadcast %convert_element_type3A_33 : vector<512x1xf32> to vector<512x128xf32>
    %mul3A_166 = arith.mulf %add3A_164, %mul3A_165 : vector<512x128xf32>
    %convert_element_type3A_167 = arith.truncf %mul3A_166 : vector<512x128xf32> to vector<512x128xbf16>
    %dot_general3A_168 = arith.constant dense<0.000000e+00> : vector<512x384xf32>
    %dot_general3A_169 = tpu.matmul %convert_element_type3A_167, %convert_element_type3A, %dot_general3A_168 {dimension_numbers = #tpu.dot_dimension_numbers<[1], [0], [0], [1], [0, 0, 1, 1], [], []>, transpose_lhs_hint = false} : vector<512x128xbf16>, vector<128x384xbf16>, vector<512x384xf32> -> vector<512x384xf32>
    %slice3A_170 = vector.extract_strided_slice %dot_general3A_169 {offsets = [0, 0], sizes = [512, 128], strides = [1, 1]} : vector<512x384xf32> to vector<512x128xf32>
    %dot_general3A_171 = arith.constant dense<0.000000e+00> : vector<512x128xf32>
    %dot_general3A_172 = tpu.matmul %convert_element_type3A_50, %slice3A_170, %dot_general3A_171 {dimension_numbers = #tpu.dot_dimension_numbers<[1], [0], [0], [1], [0, 0, 1, 1], [], []>, transpose_lhs_hint = false} : vector<512x512xbf16>, vector<512x128xf32>, vector<512x128xf32> -> vector<512x128xf32>
    %mul3A_173 = vector.broadcast %div3A_49 : vector<512x1xf32> to vector<512x128xf32>
    %mul3A_174 = arith.mulf %dot_general3A_172, %mul3A_173 : vector<512x128xf32>
    %add3A_175 = vector.broadcast %get3A_16 : vector<1x128xf32> to vector<512x128xf32>
    %add3A_176 = arith.addf %mul3A_174, %add3A_175 : vector<512x128xf32>
    %convert_element_type3A_177 = arith.truncf %add3A_176 : vector<512x128xf32> to vector<512x128xbf16>
    %dot_general3A_178 = arith.constant dense<0.000000e+00> : vector<512x384xf32>
    %dot_general3A_179 = tpu.matmul %convert_element_type3A_177, %convert_element_type3A_5, %dot_general3A_178 {dimension_numbers = #tpu.dot_dimension_numbers<[1], [0], [0], [1], [0, 0, 1, 1], [], []>, transpose_lhs_hint = false} : vector<512x128xbf16>, vector<128x384xbf16>, vector<512x384xf32> -> vector<512x384xf32>
    %slice3A_180 = vector.extract_strided_slice %dot_general3A_179 {offsets = [0, 0], sizes = [512, 128], strides = [1, 1]} : vector<512x384xf32> to vector<512x128xf32>
    %slice3A_181 = vector.extract_strided_slice %dot_general3A_169 {offsets = [0, 128], sizes = [512, 128], strides = [1, 1]} : vector<512x384xf32> to vector<512x128xf32>
    %add3A_182 = arith.addf %slice3A_180, %slice3A_181 : vector<512x128xf32>
    %add3A_183 = vector.broadcast %get3A_19 : vector<1x128xf32> to vector<512x128xf32>
    %add3A_184 = arith.addf %add3A_182, %add3A_183 : vector<512x128xf32>
    %mul3A_185 = arith.constant 5.000000e-01 : f32
    %mul3A_186 = vector.broadcast %mul3A_185 : f32 to vector<512x128xf32>
    %mul3A_187 = arith.mulf %mul3A_186, %add3A_184 : vector<512x128xf32>
    %tanh3A_188 = math.tanh %mul3A_187 : vector<512x128xf32>
    %mul3A_189 = arith.constant 5.000000e-01 : f32
    %mul3A_190 = vector.broadcast %mul3A_189 : f32 to vector<512x128xf32>
    %mul3A_191 = arith.mulf %mul3A_190, %tanh3A_188 : vector<512x128xf32>
    %add3A_192 = arith.constant 5.000000e-01 : f32
    %add3A_193 = vector.broadcast %add3A_192 : f32 to vector<512x128xf32>
    %add3A_194 = arith.addf %mul3A_191, %add3A_193 : vector<512x128xf32>
    %slice3A_195 = vector.extract_strided_slice %dot_general3A_179 {offsets = [0, 128], sizes = [512, 128], strides = [1, 1]} : vector<512x384xf32> to vector<512x128xf32>
    %slice3A_196 = vector.extract_strided_slice %dot_general3A_169 {offsets = [0, 256], sizes = [512, 128], strides = [1, 1]} : vector<512x384xf32> to vector<512x128xf32>
    %add3A_197 = arith.addf %slice3A_195, %slice3A_196 : vector<512x128xf32>
    %add3A_198 = vector.broadcast %get3A_22 : vector<1x128xf32> to vector<512x128xf32>
    %add3A_199 = arith.addf %add3A_197, %add3A_198 : vector<512x128xf32>
    %mul3A_200 = arith.constant 5.000000e-01 : f32
    %mul3A_201 = vector.broadcast %mul3A_200 : f32 to vector<512x128xf32>
    %mul3A_202 = arith.mulf %mul3A_201, %add3A_199 : vector<512x128xf32>
    %tanh3A_203 = math.tanh %mul3A_202 : vector<512x128xf32>
    %mul3A_204 = arith.constant 5.000000e-01 : f32
    %mul3A_205 = vector.broadcast %mul3A_204 : f32 to vector<512x128xf32>
    %mul3A_206 = arith.mulf %mul3A_205, %tanh3A_203 : vector<512x128xf32>
    %add3A_207 = arith.constant 5.000000e-01 : f32
    %add3A_208 = vector.broadcast %add3A_207 : f32 to vector<512x128xf32>
    %add3A_209 = arith.addf %mul3A_206, %add3A_208 : vector<512x128xf32>
    %slice3A_210 = vector.extract_strided_slice %dot_general3A_179 {offsets = [0, 256], sizes = [512, 128], strides = [1, 1]} : vector<512x384xf32> to vector<512x128xf32>
    %mul3A_211 = arith.mulf %add3A_209, %mul3A_166 : vector<512x128xf32>
    %convert_element_type3A_212 = arith.truncf %mul3A_211 : vector<512x128xf32> to vector<512x128xbf16>
    %dot_general3A_213 = arith.constant dense<0.000000e+00> : vector<512x128xf32>
    %dot_general3A_214 = tpu.matmul %convert_element_type3A_212, %convert_element_type3A_9, %dot_general3A_213 {dimension_numbers = #tpu.dot_dimension_numbers<[1], [0], [0], [1], [0, 0, 1, 1], [], []>, transpose_lhs_hint = false} : vector<512x128xbf16>, vector<128x128xbf16>, vector<512x128xf32> -> vector<512x128xf32>
    %add3A_215 = arith.addf %slice3A_210, %dot_general3A_214 : vector<512x128xf32>
    %add3A_216 = vector.broadcast %get3A_25 : vector<1x128xf32> to vector<512x128xf32>
    %add3A_217 = arith.addf %add3A_215, %add3A_216 : vector<512x128xf32>
    %tanh3A_218 = math.tanh %add3A_217 : vector<512x128xf32>
    %sub3A_219 = arith.constant 1.000000e+00 : f32
    %sub3A_220 = vector.broadcast %sub3A_219 : f32 to vector<512x128xf32>
    %sub3A_221 = arith.subf %sub3A_220, %add3A_194 : vector<512x128xf32>
    %mul3A_222 = arith.mulf %sub3A_221, %mul3A_166 : vector<512x128xf32>
    %mul3A_223 = arith.mulf %add3A_194, %tanh3A_218 : vector<512x128xf32>
    %add3A_224 = arith.addf %mul3A_222, %mul3A_223 : vector<512x128xf32>
    %mul3A_225 = vector.broadcast %convert_element_type3A_33 : vector<512x1xf32> to vector<512x128xf32>
    %mul3A_226 = arith.mulf %add3A_224, %mul3A_225 : vector<512x128xf32>
    %convert_element_type3A_227 = arith.truncf %mul3A_226 : vector<512x128xf32> to vector<512x128xbf16>
    %dot_general3A_228 = arith.constant dense<0.000000e+00> : vector<512x1xf32>
    %dot_general3A_229 = tpu.matmul %convert_element_type3A_227, %convert_element_type3A_13, %dot_general3A_228 {dimension_numbers = #tpu.dot_dimension_numbers<[1], [0], [0], [1], [0, 0, 1, 1], [], []>, transpose_lhs_hint = false} : vector<512x128xbf16>, vector<128x1xbf16>, vector<512x1xf32> -> vector<512x1xf32>
    %get3A_230 = arith.constant 0 : index
    %get3A_231 = memref.load %arg2[%get3A_230] : memref<1xf32, #tpu.memory_space<smem>>
    %add3A_232 = vector.broadcast %get3A_231 : f32 to vector<512x1xf32>
    %add3A_233 = arith.addf %dot_general3A_229, %add3A_232 : vector<512x1xf32>
    %swap3A = arith.constant 0 : index
    %swap3A_234 = arith.constant 0 : index
    %swap3A_235 = arith.constant 0 : index
    %swap3A_236 = vector.load %arg10[%swap3A, %swap3A_234, %swap3A_235] : memref<4x512x1xf32, #tpu.memory_space<vmem>>, vector<1x512x1xf32>
    %swap3A_237 = vector.shape_cast %swap3A_236 : vector<1x512x1xf32> to vector<512x1xf32>
    %swap3A_238 = vector.shape_cast %add3A_233 : vector<512x1xf32> to vector<1x512x1xf32>
    tpu.vector_store %arg10[%swap3A, %swap3A_234, %swap3A_235], %swap3A_238 {strides = array<i32>} : memref<4x512x1xf32, #tpu.memory_space<vmem>>, vector<1x512x1xf32>,
    %mul3A_239 = arith.constant 4 : i32
    %mul3A_240 = arith.muli %arg0, %mul3A_239 : i32
    %add3A_241 = arith.constant 1 : i32
    %add3A_242 = arith.addi %mul3A_240, %add3A_241 : i32
    %get3A_243 = arith.index_cast %add3A_242 : i32 to index
    %get3A_244 = arith.constant 0 : index
    %get3A_245 = memref.load %arg1[%get3A_243, %get3A_244] : memref<16x1xi32, #tpu.memory_space<smem>>
    %iota3A_246 = tpu.iota {dimensions = array<i32: 0>} : vector<512x1xi32>
    %lt3A_247 = vector.broadcast %get3A_245 : i32 to vector<512x1xi32>
    %lt3A_248 = arith.cmpi slt, %iota3A_246, %lt3A_247 : vector<512x1xi32>
    %convert_element_type3A_249 = arith.extui %lt3A_248 : vector<512x1xi1> to vector<512x1xi32>
    %convert_element_type3A_250 = arith.sitofp %convert_element_type3A_249 : vector<512x1xi32> to vector<512x1xf32>
    %get3A_251 = arith.constant 1 : index
    %get3A_252 = arith.constant 0 : index
    %get3A_253 = arith.constant 0 : index
    %get3A_254 = vector.load %arg4[%get3A_251, %get3A_252, %get3A_253] : memref<4x512x128xf32, #tpu.memory_space<vmem>>, vector<1x512x128xf32>
    %get3A_255 = vector.shape_cast %get3A_254 : vector<1x512x128xf32> to vector<512x128xf32>
    %mul3A_256 = vector.broadcast %convert_element_type3A_250 : vector<512x1xf32> to vector<512x128xf32>
    %mul3A_257 = arith.mulf %get3A_255, %mul3A_256 : vector<512x128xf32>
    %get3A_258 = arith.constant 1 : index
    %get3A_259 = arith.constant 0 : index
    %get3A_260 = arith.constant 0 : index
    %get3A_261 = vector.load %arg3[%get3A_258, %get3A_259, %get3A_260] : memref<4x512x512xf32, #tpu.memory_space<vmem>>, vector<1x512x512xf32>
    %get3A_262 = vector.shape_cast %get3A_261 : vector<1x512x512xf32> to vector<512x512xf32>
    %reduce_sum3A_263 = arith.constant dense<0.000000e+00> : vector<512xf32>
    %reduce_sum3A_264 = vector.multi_reduction <add>, %get3A_262, %reduce_sum3A_263 [1] : vector<512x512xf32> to vector<512xf32>
    %broadcast_in_dim3A_265 = vector.shape_cast %reduce_sum3A_264 : vector<512xf32> to vector<512x1xf32>
    %jit3A_266 = arith.constant 9.99999997E-7 : f32
    %max3A_267 = vector.broadcast %jit3A_266 : f32 to vector<512x1xf32>
    %max3A_268 = arith.maximumf %max3A_267, %broadcast_in_dim3A_265 : vector<512x1xf32>
    %div3A_269 = arith.constant 1.000000e+00 : f32
    %div3A_270 = vector.broadcast %div3A_269 : f32 to vector<512x1xf32>
    %div3A_271 = arith.divf %div3A_270, %max3A_268 : vector<512x1xf32>
    %convert_element_type3A_272 = arith.truncf %get3A_262 : vector<512x512xf32> to vector<512x512xbf16>
    %convert_element_type3A_273 = arith.truncf %mul3A_257 : vector<512x128xf32> to vector<512x128xbf16>
    %dot_general3A_274 = arith.constant dense<0.000000e+00> : vector<512x384xf32>
    %dot_general3A_275 = tpu.matmul %convert_element_type3A_273, %convert_element_type3A, %dot_general3A_274 {dimension_numbers = #tpu.dot_dimension_numbers<[1], [0], [0], [1], [0, 0, 1, 1], [], []>, transpose_lhs_hint = false} : vector<512x128xbf16>, vector<128x384xbf16>, vector<512x384xf32> -> vector<512x384xf32>
    %slice3A_276 = vector.extract_strided_slice %dot_general3A_275 {offsets = [0, 0], sizes = [512, 128], strides = [1, 1]} : vector<512x384xf32> to vector<512x128xf32>
    %dot_general3A_277 = arith.constant dense<0.000000e+00> : vector<512x128xf32>
    %dot_general3A_278 = tpu.matmul %convert_element_type3A_272, %slice3A_276, %dot_general3A_277 {dimension_numbers = #tpu.dot_dimension_numbers<[1], [0], [0], [1], [0, 0, 1, 1], [], []>, transpose_lhs_hint = false} : vector<512x512xbf16>, vector<512x128xf32>, vector<512x128xf32> -> vector<512x128xf32>
    %mul3A_279 = vector.broadcast %div3A_271 : vector<512x1xf32> to vector<512x128xf32>
    %mul3A_280 = arith.mulf %dot_general3A_278, %mul3A_279 : vector<512x128xf32>
    %add3A_281 = vector.broadcast %get3A_16 : vector<1x128xf32> to vector<512x128xf32>
    %add3A_282 = arith.addf %mul3A_280, %add3A_281 : vector<512x128xf32>
    %convert_element_type3A_283 = arith.truncf %add3A_282 : vector<512x128xf32> to vector<512x128xbf16>
    %dot_general3A_284 = arith.constant dense<0.000000e+00> : vector<512x384xf32>
    %dot_general3A_285 = tpu.matmul %convert_element_type3A_283, %convert_element_type3A_5, %dot_general3A_284 {dimension_numbers = #tpu.dot_dimension_numbers<[1], [0], [0], [1], [0, 0, 1, 1], [], []>, transpose_lhs_hint = false} : vector<512x128xbf16>, vector<128x384xbf16>, vector<512x384xf32> -> vector<512x384xf32>
    %slice3A_286 = vector.extract_strided_slice %dot_general3A_285 {offsets = [0, 0], sizes = [512, 128], strides = [1, 1]} : vector<512x384xf32> to vector<512x128xf32>
    %slice3A_287 = vector.extract_strided_slice %dot_general3A_275 {offsets = [0, 128], sizes = [512, 128], strides = [1, 1]} : vector<512x384xf32> to vector<512x128xf32>
    %add3A_288 = arith.addf %slice3A_286, %slice3A_287 : vector<512x128xf32>
    %add3A_289 = vector.broadcast %get3A_19 : vector<1x128xf32> to vector<512x128xf32>
    %add3A_290 = arith.addf %add3A_288, %add3A_289 : vector<512x128xf32>
    %mul3A_291 = arith.constant 5.000000e-01 : f32
    %mul3A_292 = vector.broadcast %mul3A_291 : f32 to vector<512x128xf32>
    %mul3A_293 = arith.mulf %mul3A_292, %add3A_290 : vector<512x128xf32>
    %tanh3A_294 = math.tanh %mul3A_293 : vector<512x128xf32>
    %mul3A_295 = arith.constant 5.000000e-01 : f32
    %mul3A_296 = vector.broadcast %mul3A_295 : f32 to vector<512x128xf32>
    %mul3A_297 = arith.mulf %mul3A_296, %tanh3A_294 : vector<512x128xf32>
    %add3A_298 = arith.constant 5.000000e-01 : f32
    %add3A_299 = vector.broadcast %add3A_298 : f32 to vector<512x128xf32>
    %add3A_300 = arith.addf %mul3A_297, %add3A_299 : vector<512x128xf32>
    %slice3A_301 = vector.extract_strided_slice %dot_general3A_285 {offsets = [0, 128], sizes = [512, 128], strides = [1, 1]} : vector<512x384xf32> to vector<512x128xf32>
    %slice3A_302 = vector.extract_strided_slice %dot_general3A_275 {offsets = [0, 256], sizes = [512, 128], strides = [1, 1]} : vector<512x384xf32> to vector<512x128xf32>
    %add3A_303 = arith.addf %slice3A_301, %slice3A_302 : vector<512x128xf32>
    %add3A_304 = vector.broadcast %get3A_22 : vector<1x128xf32> to vector<512x128xf32>
    %add3A_305 = arith.addf %add3A_303, %add3A_304 : vector<512x128xf32>
    %mul3A_306 = arith.constant 5.000000e-01 : f32
    %mul3A_307 = vector.broadcast %mul3A_306 : f32 to vector<512x128xf32>
    %mul3A_308 = arith.mulf %mul3A_307, %add3A_305 : vector<512x128xf32>
    %tanh3A_309 = math.tanh %mul3A_308 : vector<512x128xf32>
    %mul3A_310 = arith.constant 5.000000e-01 : f32
    %mul3A_311 = vector.broadcast %mul3A_310 : f32 to vector<512x128xf32>
    %mul3A_312 = arith.mulf %mul3A_311, %tanh3A_309 : vector<512x128xf32>
    %add3A_313 = arith.constant 5.000000e-01 : f32
    %add3A_314 = vector.broadcast %add3A_313 : f32 to vector<512x128xf32>
    %add3A_315 = arith.addf %mul3A_312, %add3A_314 : vector<512x128xf32>
    %slice3A_316 = vector.extract_strided_slice %dot_general3A_285 {offsets = [0, 256], sizes = [512, 128], strides = [1, 1]} : vector<512x384xf32> to vector<512x128xf32>
    %mul3A_317 = arith.mulf %add3A_315, %mul3A_257 : vector<512x128xf32>
    %convert_element_type3A_318 = arith.truncf %mul3A_317 : vector<512x128xf32> to vector<512x128xbf16>
    %dot_general3A_319 = arith.constant dense<0.000000e+00> : vector<512x128xf32>
    %dot_general3A_320 = tpu.matmul %convert_element_type3A_318, %convert_element_type3A_9, %dot_general3A_319 {dimension_numbers = #tpu.dot_dimension_numbers<[1], [0], [0], [1], [0, 0, 1, 1], [], []>, transpose_lhs_hint = false} : vector<512x128xbf16>, vector<128x128xbf16>, vector<512x128xf32> -> vector<512x128xf32>
    %add3A_321 = arith.addf %slice3A_316, %dot_general3A_320 : vector<512x128xf32>
    %add3A_322 = vector.broadcast %get3A_25 : vector<1x128xf32> to vector<512x128xf32>
    %add3A_323 = arith.addf %add3A_321, %add3A_322 : vector<512x128xf32>
    %tanh3A_324 = math.tanh %add3A_323 : vector<512x128xf32>
    %sub3A_325 = arith.constant 1.000000e+00 : f32
    %sub3A_326 = vector.broadcast %sub3A_325 : f32 to vector<512x128xf32>
    %sub3A_327 = arith.subf %sub3A_326, %add3A_300 : vector<512x128xf32>
    %mul3A_328 = arith.mulf %sub3A_327, %mul3A_257 : vector<512x128xf32>
    %mul3A_329 = arith.mulf %add3A_300, %tanh3A_324 : vector<512x128xf32>
    %add3A_330 = arith.addf %mul3A_328, %mul3A_329 : vector<512x128xf32>
    %mul3A_331 = vector.broadcast %convert_element_type3A_250 : vector<512x1xf32> to vector<512x128xf32>
    %mul3A_332 = arith.mulf %add3A_330, %mul3A_331 : vector<512x128xf32>
    %convert_element_type3A_333 = arith.truncf %mul3A_332 : vector<512x128xf32> to vector<512x128xbf16>
    %dot_general3A_334 = arith.constant dense<0.000000e+00> : vector<512x384xf32>
    %dot_general3A_335 = tpu.matmul %convert_element_type3A_333, %convert_element_type3A, %dot_general3A_334 {dimension_numbers = #tpu.dot_dimension_numbers<[1], [0], [0], [1], [0, 0, 1, 1], [], []>, transpose_lhs_hint = false} : vector<512x128xbf16>, vector<128x384xbf16>, vector<512x384xf32> -> vector<512x384xf32>
    %slice3A_336 = vector.extract_strided_slice %dot_general3A_335 {offsets = [0, 0], sizes = [512, 128], strides = [1, 1]} : vector<512x384xf32> to vector<512x128xf32>
    %dot_general3A_337 = arith.constant dense<0.000000e+00> : vector<512x128xf32>
    %dot_general3A_338 = tpu.matmul %convert_element_type3A_272, %slice3A_336, %dot_general3A_337 {dimension_numbers = #tpu.dot_dimension_numbers<[1], [0], [0], [1], [0, 0, 1, 1], [], []>, transpose_lhs_hint = false} : vector<512x512xbf16>, vector<512x128xf32>, vector<512x128xf32> -> vector<512x128xf32>
    %mul3A_339 = vector.broadcast %div3A_271 : vector<512x1xf32> to vector<512x128xf32>
    %mul3A_340 = arith.mulf %dot_general3A_338, %mul3A_339 : vector<512x128xf32>
    %add3A_341 = vector.broadcast %get3A_16 : vector<1x128xf32> to vector<512x128xf32>
    %add3A_342 = arith.addf %mul3A_340, %add3A_341 : vector<512x128xf32>
    %convert_element_type3A_343 = arith.truncf %add3A_342 : vector<512x128xf32> to vector<512x128xbf16>
    %dot_general3A_344 = arith.constant dense<0.000000e+00> : vector<512x384xf32>
    %dot_general3A_345 = tpu.matmul %convert_element_type3A_343, %convert_element_type3A_5, %dot_general3A_344 {dimension_numbers = #tpu.dot_dimension_numbers<[1], [0], [0], [1], [0, 0, 1, 1], [], []>, transpose_lhs_hint = false} : vector<512x128xbf16>, vector<128x384xbf16>, vector<512x384xf32> -> vector<512x384xf32>
    %slice3A_346 = vector.extract_strided_slice %dot_general3A_345 {offsets = [0, 0], sizes = [512, 128], strides = [1, 1]} : vector<512x384xf32> to vector<512x128xf32>
    %slice3A_347 = vector.extract_strided_slice %dot_general3A_335 {offsets = [0, 128], sizes = [512, 128], strides = [1, 1]} : vector<512x384xf32> to vector<512x128xf32>
    %add3A_348 = arith.addf %slice3A_346, %slice3A_347 : vector<512x128xf32>
    %add3A_349 = vector.broadcast %get3A_19 : vector<1x128xf32> to vector<512x128xf32>
    %add3A_350 = arith.addf %add3A_348, %add3A_349 : vector<512x128xf32>
    %mul3A_351 = arith.constant 5.000000e-01 : f32
    %mul3A_352 = vector.broadcast %mul3A_351 : f32 to vector<512x128xf32>
    %mul3A_353 = arith.mulf %mul3A_352, %add3A_350 : vector<512x128xf32>
    %tanh3A_354 = math.tanh %mul3A_353 : vector<512x128xf32>
    %mul3A_355 = arith.constant 5.000000e-01 : f32
    %mul3A_356 = vector.broadcast %mul3A_355 : f32 to vector<512x128xf32>
    %mul3A_357 = arith.mulf %mul3A_356, %tanh3A_354 : vector<512x128xf32>
    %add3A_358 = arith.constant 5.000000e-01 : f32
    %add3A_359 = vector.broadcast %add3A_358 : f32 to vector<512x128xf32>
    %add3A_360 = arith.addf %mul3A_357, %add3A_359 : vector<512x128xf32>
    %slice3A_361 = vector.extract_strided_slice %dot_general3A_345 {offsets = [0, 128], sizes = [512, 128], strides = [1, 1]} : vector<512x384xf32> to vector<512x128xf32>
    %slice3A_362 = vector.extract_strided_slice %dot_general3A_335 {offsets = [0, 256], sizes = [512, 128], strides = [1, 1]} : vector<512x384xf32> to vector<512x128xf32>
    %add3A_363 = arith.addf %slice3A_361, %slice3A_362 : vector<512x128xf32>
    %add3A_364 = vector.broadcast %get3A_22 : vector<1x128xf32> to vector<512x128xf32>
    %add3A_365 = arith.addf %add3A_363, %add3A_364 : vector<512x128xf32>
    %mul3A_366 = arith.constant 5.000000e-01 : f32
    %mul3A_367 = vector.broadcast %mul3A_366 : f32 to vector<512x128xf32>
    %mul3A_368 = arith.mulf %mul3A_367, %add3A_365 : vector<512x128xf32>
    %tanh3A_369 = math.tanh %mul3A_368 : vector<512x128xf32>
    %mul3A_370 = arith.constant 5.000000e-01 : f32
    %mul3A_371 = vector.broadcast %mul3A_370 : f32 to vector<512x128xf32>
    %mul3A_372 = arith.mulf %mul3A_371, %tanh3A_369 : vector<512x128xf32>
    %add3A_373 = arith.constant 5.000000e-01 : f32
    %add3A_374 = vector.broadcast %add3A_373 : f32 to vector<512x128xf32>
    %add3A_375 = arith.addf %mul3A_372, %add3A_374 : vector<512x128xf32>
    %slice3A_376 = vector.extract_strided_slice %dot_general3A_345 {offsets = [0, 256], sizes = [512, 128], strides = [1, 1]} : vector<512x384xf32> to vector<512x128xf32>
    %mul3A_377 = arith.mulf %add3A_375, %mul3A_332 : vector<512x128xf32>
    %convert_element_type3A_378 = arith.truncf %mul3A_377 : vector<512x128xf32> to vector<512x128xbf16>
    %dot_general3A_379 = arith.constant dense<0.000000e+00> : vector<512x128xf32>
    %dot_general3A_380 = tpu.matmul %convert_element_type3A_378, %convert_element_type3A_9, %dot_general3A_379 {dimension_numbers = #tpu.dot_dimension_numbers<[1], [0], [0], [1], [0, 0, 1, 1], [], []>, transpose_lhs_hint = false} : vector<512x128xbf16>, vector<128x128xbf16>, vector<512x128xf32> -> vector<512x128xf32>
    %add3A_381 = arith.addf %slice3A_376, %dot_general3A_380 : vector<512x128xf32>
    %add3A_382 = vector.broadcast %get3A_25 : vector<1x128xf32> to vector<512x128xf32>
    %add3A_383 = arith.addf %add3A_381, %add3A_382 : vector<512x128xf32>
    %tanh3A_384 = math.tanh %add3A_383 : vector<512x128xf32>
    %sub3A_385 = arith.constant 1.000000e+00 : f32
    %sub3A_386 = vector.broadcast %sub3A_385 : f32 to vector<512x128xf32>
    %sub3A_387 = arith.subf %sub3A_386, %add3A_360 : vector<512x128xf32>
    %mul3A_388 = arith.mulf %sub3A_387, %mul3A_332 : vector<512x128xf32>
    %mul3A_389 = arith.mulf %add3A_360, %tanh3A_384 : vector<512x128xf32>
    %add3A_390 = arith.addf %mul3A_388, %mul3A_389 : vector<512x128xf32>
    %mul3A_391 = vector.broadcast %convert_element_type3A_250 : vector<512x1xf32> to vector<512x128xf32>
    %mul3A_392 = arith.mulf %add3A_390, %mul3A_391 : vector<512x128xf32>
    %convert_element_type3A_393 = arith.truncf %mul3A_392 : vector<512x128xf32> to vector<512x128xbf16>
    %dot_general3A_394 = arith.constant dense<0.000000e+00> : vector<512x384xf32>
    %dot_general3A_395 = tpu.matmul %convert_element_type3A_393, %convert_element_type3A, %dot_general3A_394 {dimension_numbers = #tpu.dot_dimension_numbers<[1], [0], [0], [1], [0, 0, 1, 1], [], []>, transpose_lhs_hint = false} : vector<512x128xbf16>, vector<128x384xbf16>, vector<512x384xf32> -> vector<512x384xf32>
    %slice3A_396 = vector.extract_strided_slice %dot_general3A_395 {offsets = [0, 0], sizes = [512, 128], strides = [1, 1]} : vector<512x384xf32> to vector<512x128xf32>
    %dot_general3A_397 = arith.constant dense<0.000000e+00> : vector<512x128xf32>
    %dot_general3A_398 = tpu.matmul %convert_element_type3A_272, %slice3A_396, %dot_general3A_397 {dimension_numbers = #tpu.dot_dimension_numbers<[1], [0], [0], [1], [0, 0, 1, 1], [], []>, transpose_lhs_hint = false} : vector<512x512xbf16>, vector<512x128xf32>, vector<512x128xf32> -> vector<512x128xf32>
    %mul3A_399 = vector.broadcast %div3A_271 : vector<512x1xf32> to vector<512x128xf32>
    %mul3A_400 = arith.mulf %dot_general3A_398, %mul3A_399 : vector<512x128xf32>
    %add3A_401 = vector.broadcast %get3A_16 : vector<1x128xf32> to vector<512x128xf32>
    %add3A_402 = arith.addf %mul3A_400, %add3A_401 : vector<512x128xf32>
    %convert_element_type3A_403 = arith.truncf %add3A_402 : vector<512x128xf32> to vector<512x128xbf16>
    %dot_general3A_404 = arith.constant dense<0.000000e+00> : vector<512x384xf32>
    %dot_general3A_405 = tpu.matmul %convert_element_type3A_403, %convert_element_type3A_5, %dot_general3A_404 {dimension_numbers = #tpu.dot_dimension_numbers<[1], [0], [0], [1], [0, 0, 1, 1], [], []>, transpose_lhs_hint = false} : vector<512x128xbf16>, vector<128x384xbf16>, vector<512x384xf32> -> vector<512x384xf32>
    %slice3A_406 = vector.extract_strided_slice %dot_general3A_405 {offsets = [0, 0], sizes = [512, 128], strides = [1, 1]} : vector<512x384xf32> to vector<512x128xf32>
    %slice3A_407 = vector.extract_strided_slice %dot_general3A_395 {offsets = [0, 128], sizes = [512, 128], strides = [1, 1]} : vector<512x384xf32> to vector<512x128xf32>
    %add3A_408 = arith.addf %slice3A_406, %slice3A_407 : vector<512x128xf32>
    %add3A_409 = vector.broadcast %get3A_19 : vector<1x128xf32> to vector<512x128xf32>
    %add3A_410 = arith.addf %add3A_408, %add3A_409 : vector<512x128xf32>
    %mul3A_411 = arith.constant 5.000000e-01 : f32
    %mul3A_412 = vector.broadcast %mul3A_411 : f32 to vector<512x128xf32>
    %mul3A_413 = arith.mulf %mul3A_412, %add3A_410 : vector<512x128xf32>
    %tanh3A_414 = math.tanh %mul3A_413 : vector<512x128xf32>
    %mul3A_415 = arith.constant 5.000000e-01 : f32
    %mul3A_416 = vector.broadcast %mul3A_415 : f32 to vector<512x128xf32>
    %mul3A_417 = arith.mulf %mul3A_416, %tanh3A_414 : vector<512x128xf32>
    %add3A_418 = arith.constant 5.000000e-01 : f32
    %add3A_419 = vector.broadcast %add3A_418 : f32 to vector<512x128xf32>
    %add3A_420 = arith.addf %mul3A_417, %add3A_419 : vector<512x128xf32>
    %slice3A_421 = vector.extract_strided_slice %dot_general3A_405 {offsets = [0, 128], sizes = [512, 128], strides = [1, 1]} : vector<512x384xf32> to vector<512x128xf32>
    %slice3A_422 = vector.extract_strided_slice %dot_general3A_395 {offsets = [0, 256], sizes = [512, 128], strides = [1, 1]} : vector<512x384xf32> to vector<512x128xf32>
    %add3A_423 = arith.addf %slice3A_421, %slice3A_422 : vector<512x128xf32>
    %add3A_424 = vector.broadcast %get3A_22 : vector<1x128xf32> to vector<512x128xf32>
    %add3A_425 = arith.addf %add3A_423, %add3A_424 : vector<512x128xf32>
    %mul3A_426 = arith.constant 5.000000e-01 : f32
    %mul3A_427 = vector.broadcast %mul3A_426 : f32 to vector<512x128xf32>
    %mul3A_428 = arith.mulf %mul3A_427, %add3A_425 : vector<512x128xf32>
    %tanh3A_429 = math.tanh %mul3A_428 : vector<512x128xf32>
    %mul3A_430 = arith.constant 5.000000e-01 : f32
    %mul3A_431 = vector.broadcast %mul3A_430 : f32 to vector<512x128xf32>
    %mul3A_432 = arith.mulf %mul3A_431, %tanh3A_429 : vector<512x128xf32>
    %add3A_433 = arith.constant 5.000000e-01 : f32
    %add3A_434 = vector.broadcast %add3A_433 : f32 to vector<512x128xf32>
    %add3A_435 = arith.addf %mul3A_432, %add3A_434 : vector<512x128xf32>
    %slice3A_436 = vector.extract_strided_slice %dot_general3A_405 {offsets = [0, 256], sizes = [512, 128], strides = [1, 1]} : vector<512x384xf32> to vector<512x128xf32>
    %mul3A_437 = arith.mulf %add3A_435, %mul3A_392 : vector<512x128xf32>
    %convert_element_type3A_438 = arith.truncf %mul3A_437 : vector<512x128xf32> to vector<512x128xbf16>
    %dot_general3A_439 = arith.constant dense<0.000000e+00> : vector<512x128xf32>
    %dot_general3A_440 = tpu.matmul %convert_element_type3A_438, %convert_element_type3A_9, %dot_general3A_439 {dimension_numbers = #tpu.dot_dimension_numbers<[1], [0], [0], [1], [0, 0, 1, 1], [], []>, transpose_lhs_hint = false} : vector<512x128xbf16>, vector<128x128xbf16>, vector<512x128xf32> -> vector<512x128xf32>
    %add3A_441 = arith.addf %slice3A_436, %dot_general3A_440 : vector<512x128xf32>
    %add3A_442 = vector.broadcast %get3A_25 : vector<1x128xf32> to vector<512x128xf32>
    %add3A_443 = arith.addf %add3A_441, %add3A_442 : vector<512x128xf32>
    %tanh3A_444 = math.tanh %add3A_443 : vector<512x128xf32>
    %sub3A_445 = arith.constant 1.000000e+00 : f32
    %sub3A_446 = vector.broadcast %sub3A_445 : f32 to vector<512x128xf32>
    %sub3A_447 = arith.subf %sub3A_446, %add3A_420 : vector<512x128xf32>
    %mul3A_448 = arith.mulf %sub3A_447, %mul3A_392 : vector<512x128xf32>
    %mul3A_449 = arith.mulf %add3A_420, %tanh3A_444 : vector<512x128xf32>
    %add3A_450 = arith.addf %mul3A_448, %mul3A_449 : vector<512x128xf32>
    %mul3A_451 = vector.broadcast %convert_element_type3A_250 : vector<512x1xf32> to vector<512x128xf32>
    %mul3A_452 = arith.mulf %add3A_450, %mul3A_451 : vector<512x128xf32>
    %convert_element_type3A_453 = arith.truncf %mul3A_452 : vector<512x128xf32> to vector<512x128xbf16>
    %dot_general3A_454 = arith.constant dense<0.000000e+00> : vector<512x1xf32>
    %dot_general3A_455 = tpu.matmul %convert_element_type3A_453, %convert_element_type3A_13, %dot_general3A_454 {dimension_numbers = #tpu.dot_dimension_numbers<[1], [0], [0], [1], [0, 0, 1, 1], [], []>, transpose_lhs_hint = false} : vector<512x128xbf16>, vector<128x1xbf16>, vector<512x1xf32> -> vector<512x1xf32>
    %get3A_456 = arith.constant 0 : index
    %get3A_457 = memref.load %arg2[%get3A_456] : memref<1xf32, #tpu.memory_space<smem>>
    %add3A_458 = vector.broadcast %get3A_457 : f32 to vector<512x1xf32>
    %add3A_459 = arith.addf %dot_general3A_455, %add3A_458 : vector<512x1xf32>
    %swap3A_460 = arith.constant 1 : index
    %swap3A_461 = arith.constant 0 : index
    %swap3A_462 = arith.constant 0 : index
    %swap3A_463 = vector.load %arg10[%swap3A_460, %swap3A_461, %swap3A_462] : memref<4x512x1xf32, #tpu.memory_space<vmem>>, vector<1x512x1xf32>
    %swap3A_464 = vector.shape_cast %swap3A_463 : vector<1x512x1xf32> to vector<512x1xf32>
    %swap3A_465 = vector.shape_cast %add3A_459 : vector<512x1xf32> to vector<1x512x1xf32>
    tpu.vector_store %arg10[%swap3A_460, %swap3A_461, %swap3A_462], %swap3A_465 {strides = array<i32>} : memref<4x512x1xf32, #tpu.memory_space<vmem>>, vector<1x512x1xf32>,
    %mul3A_466 = arith.constant 4 : i32
    %mul3A_467 = arith.muli %arg0, %mul3A_466 : i32
    %add3A_468 = arith.constant 2 : i32
    %add3A_469 = arith.addi %mul3A_467, %add3A_468 : i32
    %get3A_470 = arith.index_cast %add3A_469 : i32 to index
    %get3A_471 = arith.constant 0 : index
    %get3A_472 = memref.load %arg1[%get3A_470, %get3A_471] : memref<16x1xi32, #tpu.memory_space<smem>>
    %iota3A_473 = tpu.iota {dimensions = array<i32: 0>} : vector<512x1xi32>
    %lt3A_474 = vector.broadcast %get3A_472 : i32 to vector<512x1xi32>
    %lt3A_475 = arith.cmpi slt, %iota3A_473, %lt3A_474 : vector<512x1xi32>
    %convert_element_type3A_476 = arith.extui %lt3A_475 : vector<512x1xi1> to vector<512x1xi32>
    %convert_element_type3A_477 = arith.sitofp %convert_element_type3A_476 : vector<512x1xi32> to vector<512x1xf32>
    %get3A_478 = arith.constant 2 : index
    %get3A_479 = arith.constant 0 : index
    %get3A_480 = arith.constant 0 : index
    %get3A_481 = vector.load %arg4[%get3A_478, %get3A_479, %get3A_480] : memref<4x512x128xf32, #tpu.memory_space<vmem>>, vector<1x512x128xf32>
    %get3A_482 = vector.shape_cast %get3A_481 : vector<1x512x128xf32> to vector<512x128xf32>
    %mul3A_483 = vector.broadcast %convert_element_type3A_477 : vector<512x1xf32> to vector<512x128xf32>
    %mul3A_484 = arith.mulf %get3A_482, %mul3A_483 : vector<512x128xf32>
    %get3A_485 = arith.constant 2 : index
    %get3A_486 = arith.constant 0 : index
    %get3A_487 = arith.constant 0 : index
    %get3A_488 = vector.load %arg3[%get3A_485, %get3A_486, %get3A_487] : memref<4x512x512xf32, #tpu.memory_space<vmem>>, vector<1x512x512xf32>
    %get3A_489 = vector.shape_cast %get3A_488 : vector<1x512x512xf32> to vector<512x512xf32>
    %reduce_sum3A_490 = arith.constant dense<0.000000e+00> : vector<512xf32>
    %reduce_sum3A_491 = vector.multi_reduction <add>, %get3A_489, %reduce_sum3A_490 [1] : vector<512x512xf32> to vector<512xf32>
    %broadcast_in_dim3A_492 = vector.shape_cast %reduce_sum3A_491 : vector<512xf32> to vector<512x1xf32>
    %jit3A_493 = arith.constant 9.99999997E-7 : f32
    %max3A_494 = vector.broadcast %jit3A_493 : f32 to vector<512x1xf32>
    %max3A_495 = arith.maximumf %max3A_494, %broadcast_in_dim3A_492 : vector<512x1xf32>
    %div3A_496 = arith.constant 1.000000e+00 : f32
    %div3A_497 = vector.broadcast %div3A_496 : f32 to vector<512x1xf32>
    %div3A_498 = arith.divf %div3A_497, %max3A_495 : vector<512x1xf32>
    %convert_element_type3A_499 = arith.truncf %get3A_489 : vector<512x512xf32> to vector<512x512xbf16>
    %convert_element_type3A_500 = arith.truncf %mul3A_484 : vector<512x128xf32> to vector<512x128xbf16>
    %dot_general3A_501 = arith.constant dense<0.000000e+00> : vector<512x384xf32>
    %dot_general3A_502 = tpu.matmul %convert_element_type3A_500, %convert_element_type3A, %dot_general3A_501 {dimension_numbers = #tpu.dot_dimension_numbers<[1], [0], [0], [1], [0, 0, 1, 1], [], []>, transpose_lhs_hint = false} : vector<512x128xbf16>, vector<128x384xbf16>, vector<512x384xf32> -> vector<512x384xf32>
    %slice3A_503 = vector.extract_strided_slice %dot_general3A_502 {offsets = [0, 0], sizes = [512, 128], strides = [1, 1]} : vector<512x384xf32> to vector<512x128xf32>
    %dot_general3A_504 = arith.constant dense<0.000000e+00> : vector<512x128xf32>
    %dot_general3A_505 = tpu.matmul %convert_element_type3A_499, %slice3A_503, %dot_general3A_504 {dimension_numbers = #tpu.dot_dimension_numbers<[1], [0], [0], [1], [0, 0, 1, 1], [], []>, transpose_lhs_hint = false} : vector<512x512xbf16>, vector<512x128xf32>, vector<512x128xf32> -> vector<512x128xf32>
    %mul3A_506 = vector.broadcast %div3A_498 : vector<512x1xf32> to vector<512x128xf32>
    %mul3A_507 = arith.mulf %dot_general3A_505, %mul3A_506 : vector<512x128xf32>
    %add3A_508 = vector.broadcast %get3A_16 : vector<1x128xf32> to vector<512x128xf32>
    %add3A_509 = arith.addf %mul3A_507, %add3A_508 : vector<512x128xf32>
    %convert_element_type3A_510 = arith.truncf %add3A_509 : vector<512x128xf32> to vector<512x128xbf16>
    %dot_general3A_511 = arith.constant dense<0.000000e+00> : vector<512x384xf32>
    %dot_general3A_512 = tpu.matmul %convert_element_type3A_510, %convert_element_type3A_5, %dot_general3A_511 {dimension_numbers = #tpu.dot_dimension_numbers<[1], [0], [0], [1], [0, 0, 1, 1], [], []>, transpose_lhs_hint = false} : vector<512x128xbf16>, vector<128x384xbf16>, vector<512x384xf32> -> vector<512x384xf32>
    %slice3A_513 = vector.extract_strided_slice %dot_general3A_512 {offsets = [0, 0], sizes = [512, 128], strides = [1, 1]} : vector<512x384xf32> to vector<512x128xf32>
    %slice3A_514 = vector.extract_strided_slice %dot_general3A_502 {offsets = [0, 128], sizes = [512, 128], strides = [1, 1]} : vector<512x384xf32> to vector<512x128xf32>
    %add3A_515 = arith.addf %slice3A_513, %slice3A_514 : vector<512x128xf32>
    %add3A_516 = vector.broadcast %get3A_19 : vector<1x128xf32> to vector<512x128xf32>
    %add3A_517 = arith.addf %add3A_515, %add3A_516 : vector<512x128xf32>
    %mul3A_518 = arith.constant 5.000000e-01 : f32
    %mul3A_519 = vector.broadcast %mul3A_518 : f32 to vector<512x128xf32>
    %mul3A_520 = arith.mulf %mul3A_519, %add3A_517 : vector<512x128xf32>
    %tanh3A_521 = math.tanh %mul3A_520 : vector<512x128xf32>
    %mul3A_522 = arith.constant 5.000000e-01 : f32
    %mul3A_523 = vector.broadcast %mul3A_522 : f32 to vector<512x128xf32>
    %mul3A_524 = arith.mulf %mul3A_523, %tanh3A_521 : vector<512x128xf32>
    %add3A_525 = arith.constant 5.000000e-01 : f32
    %add3A_526 = vector.broadcast %add3A_525 : f32 to vector<512x128xf32>
    %add3A_527 = arith.addf %mul3A_524, %add3A_526 : vector<512x128xf32>
    %slice3A_528 = vector.extract_strided_slice %dot_general3A_512 {offsets = [0, 128], sizes = [512, 128], strides = [1, 1]} : vector<512x384xf32> to vector<512x128xf32>
    %slice3A_529 = vector.extract_strided_slice %dot_general3A_502 {offsets = [0, 256], sizes = [512, 128], strides = [1, 1]} : vector<512x384xf32> to vector<512x128xf32>
    %add3A_530 = arith.addf %slice3A_528, %slice3A_529 : vector<512x128xf32>
    %add3A_531 = vector.broadcast %get3A_22 : vector<1x128xf32> to vector<512x128xf32>
    %add3A_532 = arith.addf %add3A_530, %add3A_531 : vector<512x128xf32>
    %mul3A_533 = arith.constant 5.000000e-01 : f32
    %mul3A_534 = vector.broadcast %mul3A_533 : f32 to vector<512x128xf32>
    %mul3A_535 = arith.mulf %mul3A_534, %add3A_532 : vector<512x128xf32>
    %tanh3A_536 = math.tanh %mul3A_535 : vector<512x128xf32>
    %mul3A_537 = arith.constant 5.000000e-01 : f32
    %mul3A_538 = vector.broadcast %mul3A_537 : f32 to vector<512x128xf32>
    %mul3A_539 = arith.mulf %mul3A_538, %tanh3A_536 : vector<512x128xf32>
    %add3A_540 = arith.constant 5.000000e-01 : f32
    %add3A_541 = vector.broadcast %add3A_540 : f32 to vector<512x128xf32>
    %add3A_542 = arith.addf %mul3A_539, %add3A_541 : vector<512x128xf32>
    %slice3A_543 = vector.extract_strided_slice %dot_general3A_512 {offsets = [0, 256], sizes = [512, 128], strides = [1, 1]} : vector<512x384xf32> to vector<512x128xf32>
    %mul3A_544 = arith.mulf %add3A_542, %mul3A_484 : vector<512x128xf32>
    %convert_element_type3A_545 = arith.truncf %mul3A_544 : vector<512x128xf32> to vector<512x128xbf16>
    %dot_general3A_546 = arith.constant dense<0.000000e+00> : vector<512x128xf32>
    %dot_general3A_547 = tpu.matmul %convert_element_type3A_545, %convert_element_type3A_9, %dot_general3A_546 {dimension_numbers = #tpu.dot_dimension_numbers<[1], [0], [0], [1], [0, 0, 1, 1], [], []>, transpose_lhs_hint = false} : vector<512x128xbf16>, vector<128x128xbf16>, vector<512x128xf32> -> vector<512x128xf32>
    %add3A_548 = arith.addf %slice3A_543, %dot_general3A_547 : vector<512x128xf32>
    %add3A_549 = vector.broadcast %get3A_25 : vector<1x128xf32> to vector<512x128xf32>
    %add3A_550 = arith.addf %add3A_548, %add3A_549 : vector<512x128xf32>
    %tanh3A_551 = math.tanh %add3A_550 : vector<512x128xf32>
    %sub3A_552 = arith.constant 1.000000e+00 : f32
    %sub3A_553 = vector.broadcast %sub3A_552 : f32 to vector<512x128xf32>
    %sub3A_554 = arith.subf %sub3A_553, %add3A_527 : vector<512x128xf32>
    %mul3A_555 = arith.mulf %sub3A_554, %mul3A_484 : vector<512x128xf32>
    %mul3A_556 = arith.mulf %add3A_527, %tanh3A_551 : vector<512x128xf32>
    %add3A_557 = arith.addf %mul3A_555, %mul3A_556 : vector<512x128xf32>
    %mul3A_558 = vector.broadcast %convert_element_type3A_477 : vector<512x1xf32> to vector<512x128xf32>
    %mul3A_559 = arith.mulf %add3A_557, %mul3A_558 : vector<512x128xf32>
    %convert_element_type3A_560 = arith.truncf %mul3A_559 : vector<512x128xf32> to vector<512x128xbf16>
    %dot_general3A_561 = arith.constant dense<0.000000e+00> : vector<512x384xf32>
    %dot_general3A_562 = tpu.matmul %convert_element_type3A_560, %convert_element_type3A, %dot_general3A_561 {dimension_numbers = #tpu.dot_dimension_numbers<[1], [0], [0], [1], [0, 0, 1, 1], [], []>, transpose_lhs_hint = false} : vector<512x128xbf16>, vector<128x384xbf16>, vector<512x384xf32> -> vector<512x384xf32>
    %slice3A_563 = vector.extract_strided_slice %dot_general3A_562 {offsets = [0, 0], sizes = [512, 128], strides = [1, 1]} : vector<512x384xf32> to vector<512x128xf32>
    %dot_general3A_564 = arith.constant dense<0.000000e+00> : vector<512x128xf32>
    %dot_general3A_565 = tpu.matmul %convert_element_type3A_499, %slice3A_563, %dot_general3A_564 {dimension_numbers = #tpu.dot_dimension_numbers<[1], [0], [0], [1], [0, 0, 1, 1], [], []>, transpose_lhs_hint = false} : vector<512x512xbf16>, vector<512x128xf32>, vector<512x128xf32> -> vector<512x128xf32>
    %mul3A_566 = vector.broadcast %div3A_498 : vector<512x1xf32> to vector<512x128xf32>
    %mul3A_567 = arith.mulf %dot_general3A_565, %mul3A_566 : vector<512x128xf32>
    %add3A_568 = vector.broadcast %get3A_16 : vector<1x128xf32> to vector<512x128xf32>
    %add3A_569 = arith.addf %mul3A_567, %add3A_568 : vector<512x128xf32>
    %convert_element_type3A_570 = arith.truncf %add3A_569 : vector<512x128xf32> to vector<512x128xbf16>
    %dot_general3A_571 = arith.constant dense<0.000000e+00> : vector<512x384xf32>
    %dot_general3A_572 = tpu.matmul %convert_element_type3A_570, %convert_element_type3A_5, %dot_general3A_571 {dimension_numbers = #tpu.dot_dimension_numbers<[1], [0], [0], [1], [0, 0, 1, 1], [], []>, transpose_lhs_hint = false} : vector<512x128xbf16>, vector<128x384xbf16>, vector<512x384xf32> -> vector<512x384xf32>
    %slice3A_573 = vector.extract_strided_slice %dot_general3A_572 {offsets = [0, 0], sizes = [512, 128], strides = [1, 1]} : vector<512x384xf32> to vector<512x128xf32>
    %slice3A_574 = vector.extract_strided_slice %dot_general3A_562 {offsets = [0, 128], sizes = [512, 128], strides = [1, 1]} : vector<512x384xf32> to vector<512x128xf32>
    %add3A_575 = arith.addf %slice3A_573, %slice3A_574 : vector<512x128xf32>
    %add3A_576 = vector.broadcast %get3A_19 : vector<1x128xf32> to vector<512x128xf32>
    %add3A_577 = arith.addf %add3A_575, %add3A_576 : vector<512x128xf32>
    %mul3A_578 = arith.constant 5.000000e-01 : f32
    %mul3A_579 = vector.broadcast %mul3A_578 : f32 to vector<512x128xf32>
    %mul3A_580 = arith.mulf %mul3A_579, %add3A_577 : vector<512x128xf32>
    %tanh3A_581 = math.tanh %mul3A_580 : vector<512x128xf32>
    %mul3A_582 = arith.constant 5.000000e-01 : f32
    %mul3A_583 = vector.broadcast %mul3A_582 : f32 to vector<512x128xf32>
    %mul3A_584 = arith.mulf %mul3A_583, %tanh3A_581 : vector<512x128xf32>
    %add3A_585 = arith.constant 5.000000e-01 : f32
    %add3A_586 = vector.broadcast %add3A_585 : f32 to vector<512x128xf32>
    %add3A_587 = arith.addf %mul3A_584, %add3A_586 : vector<512x128xf32>
    %slice3A_588 = vector.extract_strided_slice %dot_general3A_572 {offsets = [0, 128], sizes = [512, 128], strides = [1, 1]} : vector<512x384xf32> to vector<512x128xf32>
    %slice3A_589 = vector.extract_strided_slice %dot_general3A_562 {offsets = [0, 256], sizes = [512, 128], strides = [1, 1]} : vector<512x384xf32> to vector<512x128xf32>
    %add3A_590 = arith.addf %slice3A_588, %slice3A_589 : vector<512x128xf32>
    %add3A_591 = vector.broadcast %get3A_22 : vector<1x128xf32> to vector<512x128xf32>
    %add3A_592 = arith.addf %add3A_590, %add3A_591 : vector<512x128xf32>
    %mul3A_593 = arith.constant 5.000000e-01 : f32
    %mul3A_594 = vector.broadcast %mul3A_593 : f32 to vector<512x128xf32>
    %mul3A_595 = arith.mulf %mul3A_594, %add3A_592 : vector<512x128xf32>
    %tanh3A_596 = math.tanh %mul3A_595 : vector<512x128xf32>
    %mul3A_597 = arith.constant 5.000000e-01 : f32
    %mul3A_598 = vector.broadcast %mul3A_597 : f32 to vector<512x128xf32>
    %mul3A_599 = arith.mulf %mul3A_598, %tanh3A_596 : vector<512x128xf32>
    %add3A_600 = arith.constant 5.000000e-01 : f32
    %add3A_601 = vector.broadcast %add3A_600 : f32 to vector<512x128xf32>
    %add3A_602 = arith.addf %mul3A_599, %add3A_601 : vector<512x128xf32>
    %slice3A_603 = vector.extract_strided_slice %dot_general3A_572 {offsets = [0, 256], sizes = [512, 128], strides = [1, 1]} : vector<512x384xf32> to vector<512x128xf32>
    %mul3A_604 = arith.mulf %add3A_602, %mul3A_559 : vector<512x128xf32>
    %convert_element_type3A_605 = arith.truncf %mul3A_604 : vector<512x128xf32> to vector<512x128xbf16>
    %dot_general3A_606 = arith.constant dense<0.000000e+00> : vector<512x128xf32>
    %dot_general3A_607 = tpu.matmul %convert_element_type3A_605, %convert_element_type3A_9, %dot_general3A_606 {dimension_numbers = #tpu.dot_dimension_numbers<[1], [0], [0], [1], [0, 0, 1, 1], [], []>, transpose_lhs_hint = false} : vector<512x128xbf16>, vector<128x128xbf16>, vector<512x128xf32> -> vector<512x128xf32>
    %add3A_608 = arith.addf %slice3A_603, %dot_general3A_607 : vector<512x128xf32>
    %add3A_609 = vector.broadcast %get3A_25 : vector<1x128xf32> to vector<512x128xf32>
    %add3A_610 = arith.addf %add3A_608, %add3A_609 : vector<512x128xf32>
    %tanh3A_611 = math.tanh %add3A_610 : vector<512x128xf32>
    %sub3A_612 = arith.constant 1.000000e+00 : f32
    %sub3A_613 = vector.broadcast %sub3A_612 : f32 to vector<512x128xf32>
    %sub3A_614 = arith.subf %sub3A_613, %add3A_587 : vector<512x128xf32>
    %mul3A_615 = arith.mulf %sub3A_614, %mul3A_559 : vector<512x128xf32>
    %mul3A_616 = arith.mulf %add3A_587, %tanh3A_611 : vector<512x128xf32>
    %add3A_617 = arith.addf %mul3A_615, %mul3A_616 : vector<512x128xf32>
    %mul3A_618 = vector.broadcast %convert_element_type3A_477 : vector<512x1xf32> to vector<512x128xf32>
    %mul3A_619 = arith.mulf %add3A_617, %mul3A_618 : vector<512x128xf32>
    %convert_element_type3A_620 = arith.truncf %mul3A_619 : vector<512x128xf32> to vector<512x128xbf16>
    %dot_general3A_621 = arith.constant dense<0.000000e+00> : vector<512x384xf32>
    %dot_general3A_622 = tpu.matmul %convert_element_type3A_620, %convert_element_type3A, %dot_general3A_621 {dimension_numbers = #tpu.dot_dimension_numbers<[1], [0], [0], [1], [0, 0, 1, 1], [], []>, transpose_lhs_hint = false} : vector<512x128xbf16>, vector<128x384xbf16>, vector<512x384xf32> -> vector<512x384xf32>
    %slice3A_623 = vector.extract_strided_slice %dot_general3A_622 {offsets = [0, 0], sizes = [512, 128], strides = [1, 1]} : vector<512x384xf32> to vector<512x128xf32>
    %dot_general3A_624 = arith.constant dense<0.000000e+00> : vector<512x128xf32>
    %dot_general3A_625 = tpu.matmul %convert_element_type3A_499, %slice3A_623, %dot_general3A_624 {dimension_numbers = #tpu.dot_dimension_numbers<[1], [0], [0], [1], [0, 0, 1, 1], [], []>, transpose_lhs_hint = false} : vector<512x512xbf16>, vector<512x128xf32>, vector<512x128xf32> -> vector<512x128xf32>
    %mul3A_626 = vector.broadcast %div3A_498 : vector<512x1xf32> to vector<512x128xf32>
    %mul3A_627 = arith.mulf %dot_general3A_625, %mul3A_626 : vector<512x128xf32>
    %add3A_628 = vector.broadcast %get3A_16 : vector<1x128xf32> to vector<512x128xf32>
    %add3A_629 = arith.addf %mul3A_627, %add3A_628 : vector<512x128xf32>
    %convert_element_type3A_630 = arith.truncf %add3A_629 : vector<512x128xf32> to vector<512x128xbf16>
    %dot_general3A_631 = arith.constant dense<0.000000e+00> : vector<512x384xf32>
    %dot_general3A_632 = tpu.matmul %convert_element_type3A_630, %convert_element_type3A_5, %dot_general3A_631 {dimension_numbers = #tpu.dot_dimension_numbers<[1], [0], [0], [1], [0, 0, 1, 1], [], []>, transpose_lhs_hint = false} : vector<512x128xbf16>, vector<128x384xbf16>, vector<512x384xf32> -> vector<512x384xf32>
    %slice3A_633 = vector.extract_strided_slice %dot_general3A_632 {offsets = [0, 0], sizes = [512, 128], strides = [1, 1]} : vector<512x384xf32> to vector<512x128xf32>
    %slice3A_634 = vector.extract_strided_slice %dot_general3A_622 {offsets = [0, 128], sizes = [512, 128], strides = [1, 1]} : vector<512x384xf32> to vector<512x128xf32>
    %add3A_635 = arith.addf %slice3A_633, %slice3A_634 : vector<512x128xf32>
    %add3A_636 = vector.broadcast %get3A_19 : vector<1x128xf32> to vector<512x128xf32>
    %add3A_637 = arith.addf %add3A_635, %add3A_636 : vector<512x128xf32>
    %mul3A_638 = arith.constant 5.000000e-01 : f32
    %mul3A_639 = vector.broadcast %mul3A_638 : f32 to vector<512x128xf32>
    %mul3A_640 = arith.mulf %mul3A_639, %add3A_637 : vector<512x128xf32>
    %tanh3A_641 = math.tanh %mul3A_640 : vector<512x128xf32>
    %mul3A_642 = arith.constant 5.000000e-01 : f32
    %mul3A_643 = vector.broadcast %mul3A_642 : f32 to vector<512x128xf32>
    %mul3A_644 = arith.mulf %mul3A_643, %tanh3A_641 : vector<512x128xf32>
    %add3A_645 = arith.constant 5.000000e-01 : f32
    %add3A_646 = vector.broadcast %add3A_645 : f32 to vector<512x128xf32>
    %add3A_647 = arith.addf %mul3A_644, %add3A_646 : vector<512x128xf32>
    %slice3A_648 = vector.extract_strided_slice %dot_general3A_632 {offsets = [0, 128], sizes = [512, 128], strides = [1, 1]} : vector<512x384xf32> to vector<512x128xf32>
    %slice3A_649 = vector.extract_strided_slice %dot_general3A_622 {offsets = [0, 256], sizes = [512, 128], strides = [1, 1]} : vector<512x384xf32> to vector<512x128xf32>
    %add3A_650 = arith.addf %slice3A_648, %slice3A_649 : vector<512x128xf32>
    %add3A_651 = vector.broadcast %get3A_22 : vector<1x128xf32> to vector<512x128xf32>
    %add3A_652 = arith.addf %add3A_650, %add3A_651 : vector<512x128xf32>
    %mul3A_653 = arith.constant 5.000000e-01 : f32
    %mul3A_654 = vector.broadcast %mul3A_653 : f32 to vector<512x128xf32>
    %mul3A_655 = arith.mulf %mul3A_654, %add3A_652 : vector<512x128xf32>
    %tanh3A_656 = math.tanh %mul3A_655 : vector<512x128xf32>
    %mul3A_657 = arith.constant 5.000000e-01 : f32
    %mul3A_658 = vector.broadcast %mul3A_657 : f32 to vector<512x128xf32>
    %mul3A_659 = arith.mulf %mul3A_658, %tanh3A_656 : vector<512x128xf32>
    %add3A_660 = arith.constant 5.000000e-01 : f32
    %add3A_661 = vector.broadcast %add3A_660 : f32 to vector<512x128xf32>
    %add3A_662 = arith.addf %mul3A_659, %add3A_661 : vector<512x128xf32>
    %slice3A_663 = vector.extract_strided_slice %dot_general3A_632 {offsets = [0, 256], sizes = [512, 128], strides = [1, 1]} : vector<512x384xf32> to vector<512x128xf32>
    %mul3A_664 = arith.mulf %add3A_662, %mul3A_619 : vector<512x128xf32>
    %convert_element_type3A_665 = arith.truncf %mul3A_664 : vector<512x128xf32> to vector<512x128xbf16>
    %dot_general3A_666 = arith.constant dense<0.000000e+00> : vector<512x128xf32>
    %dot_general3A_667 = tpu.matmul %convert_element_type3A_665, %convert_element_type3A_9, %dot_general3A_666 {dimension_numbers = #tpu.dot_dimension_numbers<[1], [0], [0], [1], [0, 0, 1, 1], [], []>, transpose_lhs_hint = false} : vector<512x128xbf16>, vector<128x128xbf16>, vector<512x128xf32> -> vector<512x128xf32>
    %add3A_668 = arith.addf %slice3A_663, %dot_general3A_667 : vector<512x128xf32>
    %add3A_669 = vector.broadcast %get3A_25 : vector<1x128xf32> to vector<512x128xf32>
    %add3A_670 = arith.addf %add3A_668, %add3A_669 : vector<512x128xf32>
    %tanh3A_671 = math.tanh %add3A_670 : vector<512x128xf32>
    %sub3A_672 = arith.constant 1.000000e+00 : f32
    %sub3A_673 = vector.broadcast %sub3A_672 : f32 to vector<512x128xf32>
    %sub3A_674 = arith.subf %sub3A_673, %add3A_647 : vector<512x128xf32>
    %mul3A_675 = arith.mulf %sub3A_674, %mul3A_619 : vector<512x128xf32>
    %mul3A_676 = arith.mulf %add3A_647, %tanh3A_671 : vector<512x128xf32>
    %add3A_677 = arith.addf %mul3A_675, %mul3A_676 : vector<512x128xf32>
    %mul3A_678 = vector.broadcast %convert_element_type3A_477 : vector<512x1xf32> to vector<512x128xf32>
    %mul3A_679 = arith.mulf %add3A_677, %mul3A_678 : vector<512x128xf32>
    %convert_element_type3A_680 = arith.truncf %mul3A_679 : vector<512x128xf32> to vector<512x128xbf16>
    %dot_general3A_681 = arith.constant dense<0.000000e+00> : vector<512x1xf32>
    %dot_general3A_682 = tpu.matmul %convert_element_type3A_680, %convert_element_type3A_13, %dot_general3A_681 {dimension_numbers = #tpu.dot_dimension_numbers<[1], [0], [0], [1], [0, 0, 1, 1], [], []>, transpose_lhs_hint = false} : vector<512x128xbf16>, vector<128x1xbf16>, vector<512x1xf32> -> vector<512x1xf32>
    %get3A_683 = arith.constant 0 : index
    %get3A_684 = memref.load %arg2[%get3A_683] : memref<1xf32, #tpu.memory_space<smem>>
    %add3A_685 = vector.broadcast %get3A_684 : f32 to vector<512x1xf32>
    %add3A_686 = arith.addf %dot_general3A_682, %add3A_685 : vector<512x1xf32>
    %swap3A_687 = arith.constant 2 : index
    %swap3A_688 = arith.constant 0 : index
    %swap3A_689 = arith.constant 0 : index
    %swap3A_690 = vector.load %arg10[%swap3A_687, %swap3A_688, %swap3A_689] : memref<4x512x1xf32, #tpu.memory_space<vmem>>, vector<1x512x1xf32>
    %swap3A_691 = vector.shape_cast %swap3A_690 : vector<1x512x1xf32> to vector<512x1xf32>
    %swap3A_692 = vector.shape_cast %add3A_686 : vector<512x1xf32> to vector<1x512x1xf32>
    tpu.vector_store %arg10[%swap3A_687, %swap3A_688, %swap3A_689], %swap3A_692 {strides = array<i32>} : memref<4x512x1xf32, #tpu.memory_space<vmem>>, vector<1x512x1xf32>,
    %mul3A_693 = arith.constant 4 : i32
    %mul3A_694 = arith.muli %arg0, %mul3A_693 : i32
    %add3A_695 = arith.constant 3 : i32
    %add3A_696 = arith.addi %mul3A_694, %add3A_695 : i32
    %get3A_697 = arith.index_cast %add3A_696 : i32 to index
    %get3A_698 = arith.constant 0 : index
    %get3A_699 = memref.load %arg1[%get3A_697, %get3A_698] : memref<16x1xi32, #tpu.memory_space<smem>>
    %iota3A_700 = tpu.iota {dimensions = array<i32: 0>} : vector<512x1xi32>
    %lt3A_701 = vector.broadcast %get3A_699 : i32 to vector<512x1xi32>
    %lt3A_702 = arith.cmpi slt, %iota3A_700, %lt3A_701 : vector<512x1xi32>
    %convert_element_type3A_703 = arith.extui %lt3A_702 : vector<512x1xi1> to vector<512x1xi32>
    %convert_element_type3A_704 = arith.sitofp %convert_element_type3A_703 : vector<512x1xi32> to vector<512x1xf32>
    %get3A_705 = arith.constant 3 : index
    %get3A_706 = arith.constant 0 : index
    %get3A_707 = arith.constant 0 : index
    %get3A_708 = vector.load %arg4[%get3A_705, %get3A_706, %get3A_707] : memref<4x512x128xf32, #tpu.memory_space<vmem>>, vector<1x512x128xf32>
    %get3A_709 = vector.shape_cast %get3A_708 : vector<1x512x128xf32> to vector<512x128xf32>
    %mul3A_710 = vector.broadcast %convert_element_type3A_704 : vector<512x1xf32> to vector<512x128xf32>
    %mul3A_711 = arith.mulf %get3A_709, %mul3A_710 : vector<512x128xf32>
    %get3A_712 = arith.constant 3 : index
    %get3A_713 = arith.constant 0 : index
    %get3A_714 = arith.constant 0 : index
    %get3A_715 = vector.load %arg3[%get3A_712, %get3A_713, %get3A_714] : memref<4x512x512xf32, #tpu.memory_space<vmem>>, vector<1x512x512xf32>
    %get3A_716 = vector.shape_cast %get3A_715 : vector<1x512x512xf32> to vector<512x512xf32>
    %reduce_sum3A_717 = arith.constant dense<0.000000e+00> : vector<512xf32>
    %reduce_sum3A_718 = vector.multi_reduction <add>, %get3A_716, %reduce_sum3A_717 [1] : vector<512x512xf32> to vector<512xf32>
    %broadcast_in_dim3A_719 = vector.shape_cast %reduce_sum3A_718 : vector<512xf32> to vector<512x1xf32>
    %jit3A_720 = arith.constant 9.99999997E-7 : f32
    %max3A_721 = vector.broadcast %jit3A_720 : f32 to vector<512x1xf32>
    %max3A_722 = arith.maximumf %max3A_721, %broadcast_in_dim3A_719 : vector<512x1xf32>
    %div3A_723 = arith.constant 1.000000e+00 : f32
    %div3A_724 = vector.broadcast %div3A_723 : f32 to vector<512x1xf32>
    %div3A_725 = arith.divf %div3A_724, %max3A_722 : vector<512x1xf32>
    %convert_element_type3A_726 = arith.truncf %get3A_716 : vector<512x512xf32> to vector<512x512xbf16>
    %convert_element_type3A_727 = arith.truncf %mul3A_711 : vector<512x128xf32> to vector<512x128xbf16>
    %dot_general3A_728 = arith.constant dense<0.000000e+00> : vector<512x384xf32>
    %dot_general3A_729 = tpu.matmul %convert_element_type3A_727, %convert_element_type3A, %dot_general3A_728 {dimension_numbers = #tpu.dot_dimension_numbers<[1], [0], [0], [1], [0, 0, 1, 1], [], []>, transpose_lhs_hint = false} : vector<512x128xbf16>, vector<128x384xbf16>, vector<512x384xf32> -> vector<512x384xf32>
    %slice3A_730 = vector.extract_strided_slice %dot_general3A_729 {offsets = [0, 0], sizes = [512, 128], strides = [1, 1]} : vector<512x384xf32> to vector<512x128xf32>
    %dot_general3A_731 = arith.constant dense<0.000000e+00> : vector<512x128xf32>
    %dot_general3A_732 = tpu.matmul %convert_element_type3A_726, %slice3A_730, %dot_general3A_731 {dimension_numbers = #tpu.dot_dimension_numbers<[1], [0], [0], [1], [0, 0, 1, 1], [], []>, transpose_lhs_hint = false} : vector<512x512xbf16>, vector<512x128xf32>, vector<512x128xf32> -> vector<512x128xf32>
    %mul3A_733 = vector.broadcast %div3A_725 : vector<512x1xf32> to vector<512x128xf32>
    %mul3A_734 = arith.mulf %dot_general3A_732, %mul3A_733 : vector<512x128xf32>
    %add3A_735 = vector.broadcast %get3A_16 : vector<1x128xf32> to vector<512x128xf32>
    %add3A_736 = arith.addf %mul3A_734, %add3A_735 : vector<512x128xf32>
    %convert_element_type3A_737 = arith.truncf %add3A_736 : vector<512x128xf32> to vector<512x128xbf16>
    %dot_general3A_738 = arith.constant dense<0.000000e+00> : vector<512x384xf32>
    %dot_general3A_739 = tpu.matmul %convert_element_type3A_737, %convert_element_type3A_5, %dot_general3A_738 {dimension_numbers = #tpu.dot_dimension_numbers<[1], [0], [0], [1], [0, 0, 1, 1], [], []>, transpose_lhs_hint = false} : vector<512x128xbf16>, vector<128x384xbf16>, vector<512x384xf32> -> vector<512x384xf32>
    %slice3A_740 = vector.extract_strided_slice %dot_general3A_739 {offsets = [0, 0], sizes = [512, 128], strides = [1, 1]} : vector<512x384xf32> to vector<512x128xf32>
    %slice3A_741 = vector.extract_strided_slice %dot_general3A_729 {offsets = [0, 128], sizes = [512, 128], strides = [1, 1]} : vector<512x384xf32> to vector<512x128xf32>
    %add3A_742 = arith.addf %slice3A_740, %slice3A_741 : vector<512x128xf32>
    %add3A_743 = vector.broadcast %get3A_19 : vector<1x128xf32> to vector<512x128xf32>
    %add3A_744 = arith.addf %add3A_742, %add3A_743 : vector<512x128xf32>
    %mul3A_745 = arith.constant 5.000000e-01 : f32
    %mul3A_746 = vector.broadcast %mul3A_745 : f32 to vector<512x128xf32>
    %mul3A_747 = arith.mulf %mul3A_746, %add3A_744 : vector<512x128xf32>
    %tanh3A_748 = math.tanh %mul3A_747 : vector<512x128xf32>
    %mul3A_749 = arith.constant 5.000000e-01 : f32
    %mul3A_750 = vector.broadcast %mul3A_749 : f32 to vector<512x128xf32>
    %mul3A_751 = arith.mulf %mul3A_750, %tanh3A_748 : vector<512x128xf32>
    %add3A_752 = arith.constant 5.000000e-01 : f32
    %add3A_753 = vector.broadcast %add3A_752 : f32 to vector<512x128xf32>
    %add3A_754 = arith.addf %mul3A_751, %add3A_753 : vector<512x128xf32>
    %slice3A_755 = vector.extract_strided_slice %dot_general3A_739 {offsets = [0, 128], sizes = [512, 128], strides = [1, 1]} : vector<512x384xf32> to vector<512x128xf32>
    %slice3A_756 = vector.extract_strided_slice %dot_general3A_729 {offsets = [0, 256], sizes = [512, 128], strides = [1, 1]} : vector<512x384xf32> to vector<512x128xf32>
    %add3A_757 = arith.addf %slice3A_755, %slice3A_756 : vector<512x128xf32>
    %add3A_758 = vector.broadcast %get3A_22 : vector<1x128xf32> to vector<512x128xf32>
    %add3A_759 = arith.addf %add3A_757, %add3A_758 : vector<512x128xf32>
    %mul3A_760 = arith.constant 5.000000e-01 : f32
    %mul3A_761 = vector.broadcast %mul3A_760 : f32 to vector<512x128xf32>
    %mul3A_762 = arith.mulf %mul3A_761, %add3A_759 : vector<512x128xf32>
    %tanh3A_763 = math.tanh %mul3A_762 : vector<512x128xf32>
    %mul3A_764 = arith.constant 5.000000e-01 : f32
    %mul3A_765 = vector.broadcast %mul3A_764 : f32 to vector<512x128xf32>
    %mul3A_766 = arith.mulf %mul3A_765, %tanh3A_763 : vector<512x128xf32>
    %add3A_767 = arith.constant 5.000000e-01 : f32
    %add3A_768 = vector.broadcast %add3A_767 : f32 to vector<512x128xf32>
    %add3A_769 = arith.addf %mul3A_766, %add3A_768 : vector<512x128xf32>
    %slice3A_770 = vector.extract_strided_slice %dot_general3A_739 {offsets = [0, 256], sizes = [512, 128], strides = [1, 1]} : vector<512x384xf32> to vector<512x128xf32>
    %mul3A_771 = arith.mulf %add3A_769, %mul3A_711 : vector<512x128xf32>
    %convert_element_type3A_772 = arith.truncf %mul3A_771 : vector<512x128xf32> to vector<512x128xbf16>
    %dot_general3A_773 = arith.constant dense<0.000000e+00> : vector<512x128xf32>
    %dot_general3A_774 = tpu.matmul %convert_element_type3A_772, %convert_element_type3A_9, %dot_general3A_773 {dimension_numbers = #tpu.dot_dimension_numbers<[1], [0], [0], [1], [0, 0, 1, 1], [], []>, transpose_lhs_hint = false} : vector<512x128xbf16>, vector<128x128xbf16>, vector<512x128xf32> -> vector<512x128xf32>
    %add3A_775 = arith.addf %slice3A_770, %dot_general3A_774 : vector<512x128xf32>
    %add3A_776 = vector.broadcast %get3A_25 : vector<1x128xf32> to vector<512x128xf32>
    %add3A_777 = arith.addf %add3A_775, %add3A_776 : vector<512x128xf32>
    %tanh3A_778 = math.tanh %add3A_777 : vector<512x128xf32>
    %sub3A_779 = arith.constant 1.000000e+00 : f32
    %sub3A_780 = vector.broadcast %sub3A_779 : f32 to vector<512x128xf32>
    %sub3A_781 = arith.subf %sub3A_780, %add3A_754 : vector<512x128xf32>
    %mul3A_782 = arith.mulf %sub3A_781, %mul3A_711 : vector<512x128xf32>
    %mul3A_783 = arith.mulf %add3A_754, %tanh3A_778 : vector<512x128xf32>
    %add3A_784 = arith.addf %mul3A_782, %mul3A_783 : vector<512x128xf32>
    %mul3A_785 = vector.broadcast %convert_element_type3A_704 : vector<512x1xf32> to vector<512x128xf32>
    %mul3A_786 = arith.mulf %add3A_784, %mul3A_785 : vector<512x128xf32>
    %convert_element_type3A_787 = arith.truncf %mul3A_786 : vector<512x128xf32> to vector<512x128xbf16>
    %dot_general3A_788 = arith.constant dense<0.000000e+00> : vector<512x384xf32>
    %dot_general3A_789 = tpu.matmul %convert_element_type3A_787, %convert_element_type3A, %dot_general3A_788 {dimension_numbers = #tpu.dot_dimension_numbers<[1], [0], [0], [1], [0, 0, 1, 1], [], []>, transpose_lhs_hint = false} : vector<512x128xbf16>, vector<128x384xbf16>, vector<512x384xf32> -> vector<512x384xf32>
    %slice3A_790 = vector.extract_strided_slice %dot_general3A_789 {offsets = [0, 0], sizes = [512, 128], strides = [1, 1]} : vector<512x384xf32> to vector<512x128xf32>
    %dot_general3A_791 = arith.constant dense<0.000000e+00> : vector<512x128xf32>
    %dot_general3A_792 = tpu.matmul %convert_element_type3A_726, %slice3A_790, %dot_general3A_791 {dimension_numbers = #tpu.dot_dimension_numbers<[1], [0], [0], [1], [0, 0, 1, 1], [], []>, transpose_lhs_hint = false} : vector<512x512xbf16>, vector<512x128xf32>, vector<512x128xf32> -> vector<512x128xf32>
    %mul3A_793 = vector.broadcast %div3A_725 : vector<512x1xf32> to vector<512x128xf32>
    %mul3A_794 = arith.mulf %dot_general3A_792, %mul3A_793 : vector<512x128xf32>
    %add3A_795 = vector.broadcast %get3A_16 : vector<1x128xf32> to vector<512x128xf32>
    %add3A_796 = arith.addf %mul3A_794, %add3A_795 : vector<512x128xf32>
    %convert_element_type3A_797 = arith.truncf %add3A_796 : vector<512x128xf32> to vector<512x128xbf16>
    %dot_general3A_798 = arith.constant dense<0.000000e+00> : vector<512x384xf32>
    %dot_general3A_799 = tpu.matmul %convert_element_type3A_797, %convert_element_type3A_5, %dot_general3A_798 {dimension_numbers = #tpu.dot_dimension_numbers<[1], [0], [0], [1], [0, 0, 1, 1], [], []>, transpose_lhs_hint = false} : vector<512x128xbf16>, vector<128x384xbf16>, vector<512x384xf32> -> vector<512x384xf32>
    %slice3A_800 = vector.extract_strided_slice %dot_general3A_799 {offsets = [0, 0], sizes = [512, 128], strides = [1, 1]} : vector<512x384xf32> to vector<512x128xf32>
    %slice3A_801 = vector.extract_strided_slice %dot_general3A_789 {offsets = [0, 128], sizes = [512, 128], strides = [1, 1]} : vector<512x384xf32> to vector<512x128xf32>
    %add3A_802 = arith.addf %slice3A_800, %slice3A_801 : vector<512x128xf32>
    %add3A_803 = vector.broadcast %get3A_19 : vector<1x128xf32> to vector<512x128xf32>
    %add3A_804 = arith.addf %add3A_802, %add3A_803 : vector<512x128xf32>
    %mul3A_805 = arith.constant 5.000000e-01 : f32
    %mul3A_806 = vector.broadcast %mul3A_805 : f32 to vector<512x128xf32>
    %mul3A_807 = arith.mulf %mul3A_806, %add3A_804 : vector<512x128xf32>
    %tanh3A_808 = math.tanh %mul3A_807 : vector<512x128xf32>
    %mul3A_809 = arith.constant 5.000000e-01 : f32
    %mul3A_810 = vector.broadcast %mul3A_809 : f32 to vector<512x128xf32>
    %mul3A_811 = arith.mulf %mul3A_810, %tanh3A_808 : vector<512x128xf32>
    %add3A_812 = arith.constant 5.000000e-01 : f32
    %add3A_813 = vector.broadcast %add3A_812 : f32 to vector<512x128xf32>
    %add3A_814 = arith.addf %mul3A_811, %add3A_813 : vector<512x128xf32>
    %slice3A_815 = vector.extract_strided_slice %dot_general3A_799 {offsets = [0, 128], sizes = [512, 128], strides = [1, 1]} : vector<512x384xf32> to vector<512x128xf32>
    %slice3A_816 = vector.extract_strided_slice %dot_general3A_789 {offsets = [0, 256], sizes = [512, 128], strides = [1, 1]} : vector<512x384xf32> to vector<512x128xf32>
    %add3A_817 = arith.addf %slice3A_815, %slice3A_816 : vector<512x128xf32>
    %add3A_818 = vector.broadcast %get3A_22 : vector<1x128xf32> to vector<512x128xf32>
    %add3A_819 = arith.addf %add3A_817, %add3A_818 : vector<512x128xf32>
    %mul3A_820 = arith.constant 5.000000e-01 : f32
    %mul3A_821 = vector.broadcast %mul3A_820 : f32 to vector<512x128xf32>
    %mul3A_822 = arith.mulf %mul3A_821, %add3A_819 : vector<512x128xf32>
    %tanh3A_823 = math.tanh %mul3A_822 : vector<512x128xf32>
    %mul3A_824 = arith.constant 5.000000e-01 : f32
    %mul3A_825 = vector.broadcast %mul3A_824 : f32 to vector<512x128xf32>
    %mul3A_826 = arith.mulf %mul3A_825, %tanh3A_823 : vector<512x128xf32>
    %add3A_827 = arith.constant 5.000000e-01 : f32
    %add3A_828 = vector.broadcast %add3A_827 : f32 to vector<512x128xf32>
    %add3A_829 = arith.addf %mul3A_826, %add3A_828 : vector<512x128xf32>
    %slice3A_830 = vector.extract_strided_slice %dot_general3A_799 {offsets = [0, 256], sizes = [512, 128], strides = [1, 1]} : vector<512x384xf32> to vector<512x128xf32>
    %mul3A_831 = arith.mulf %add3A_829, %mul3A_786 : vector<512x128xf32>
    %convert_element_type3A_832 = arith.truncf %mul3A_831 : vector<512x128xf32> to vector<512x128xbf16>
    %dot_general3A_833 = arith.constant dense<0.000000e+00> : vector<512x128xf32>
    %dot_general3A_834 = tpu.matmul %convert_element_type3A_832, %convert_element_type3A_9, %dot_general3A_833 {dimension_numbers = #tpu.dot_dimension_numbers<[1], [0], [0], [1], [0, 0, 1, 1], [], []>, transpose_lhs_hint = false} : vector<512x128xbf16>, vector<128x128xbf16>, vector<512x128xf32> -> vector<512x128xf32>
    %add3A_835 = arith.addf %slice3A_830, %dot_general3A_834 : vector<512x128xf32>
    %add3A_836 = vector.broadcast %get3A_25 : vector<1x128xf32> to vector<512x128xf32>
    %add3A_837 = arith.addf %add3A_835, %add3A_836 : vector<512x128xf32>
    %tanh3A_838 = math.tanh %add3A_837 : vector<512x128xf32>
    %sub3A_839 = arith.constant 1.000000e+00 : f32
    %sub3A_840 = vector.broadcast %sub3A_839 : f32 to vector<512x128xf32>
    %sub3A_841 = arith.subf %sub3A_840, %add3A_814 : vector<512x128xf32>
    %mul3A_842 = arith.mulf %sub3A_841, %mul3A_786 : vector<512x128xf32>
    %mul3A_843 = arith.mulf %add3A_814, %tanh3A_838 : vector<512x128xf32>
    %add3A_844 = arith.addf %mul3A_842, %mul3A_843 : vector<512x128xf32>
    %mul3A_845 = vector.broadcast %convert_element_type3A_704 : vector<512x1xf32> to vector<512x128xf32>
    %mul3A_846 = arith.mulf %add3A_844, %mul3A_845 : vector<512x128xf32>
    %convert_element_type3A_847 = arith.truncf %mul3A_846 : vector<512x128xf32> to vector<512x128xbf16>
    %dot_general3A_848 = arith.constant dense<0.000000e+00> : vector<512x384xf32>
    %dot_general3A_849 = tpu.matmul %convert_element_type3A_847, %convert_element_type3A, %dot_general3A_848 {dimension_numbers = #tpu.dot_dimension_numbers<[1], [0], [0], [1], [0, 0, 1, 1], [], []>, transpose_lhs_hint = false} : vector<512x128xbf16>, vector<128x384xbf16>, vector<512x384xf32> -> vector<512x384xf32>
    %slice3A_850 = vector.extract_strided_slice %dot_general3A_849 {offsets = [0, 0], sizes = [512, 128], strides = [1, 1]} : vector<512x384xf32> to vector<512x128xf32>
    %dot_general3A_851 = arith.constant dense<0.000000e+00> : vector<512x128xf32>
    %dot_general3A_852 = tpu.matmul %convert_element_type3A_726, %slice3A_850, %dot_general3A_851 {dimension_numbers = #tpu.dot_dimension_numbers<[1], [0], [0], [1], [0, 0, 1, 1], [], []>, transpose_lhs_hint = false} : vector<512x512xbf16>, vector<512x128xf32>, vector<512x128xf32> -> vector<512x128xf32>
    %mul3A_853 = vector.broadcast %div3A_725 : vector<512x1xf32> to vector<512x128xf32>
    %mul3A_854 = arith.mulf %dot_general3A_852, %mul3A_853 : vector<512x128xf32>
    %add3A_855 = vector.broadcast %get3A_16 : vector<1x128xf32> to vector<512x128xf32>
    %add3A_856 = arith.addf %mul3A_854, %add3A_855 : vector<512x128xf32>
    %convert_element_type3A_857 = arith.truncf %add3A_856 : vector<512x128xf32> to vector<512x128xbf16>
    %dot_general3A_858 = arith.constant dense<0.000000e+00> : vector<512x384xf32>
    %dot_general3A_859 = tpu.matmul %convert_element_type3A_857, %convert_element_type3A_5, %dot_general3A_858 {dimension_numbers = #tpu.dot_dimension_numbers<[1], [0], [0], [1], [0, 0, 1, 1], [], []>, transpose_lhs_hint = false} : vector<512x128xbf16>, vector<128x384xbf16>, vector<512x384xf32> -> vector<512x384xf32>
    %slice3A_860 = vector.extract_strided_slice %dot_general3A_859 {offsets = [0, 0], sizes = [512, 128], strides = [1, 1]} : vector<512x384xf32> to vector<512x128xf32>
    %slice3A_861 = vector.extract_strided_slice %dot_general3A_849 {offsets = [0, 128], sizes = [512, 128], strides = [1, 1]} : vector<512x384xf32> to vector<512x128xf32>
    %add3A_862 = arith.addf %slice3A_860, %slice3A_861 : vector<512x128xf32>
    %add3A_863 = vector.broadcast %get3A_19 : vector<1x128xf32> to vector<512x128xf32>
    %add3A_864 = arith.addf %add3A_862, %add3A_863 : vector<512x128xf32>
    %mul3A_865 = arith.constant 5.000000e-01 : f32
    %mul3A_866 = vector.broadcast %mul3A_865 : f32 to vector<512x128xf32>
    %mul3A_867 = arith.mulf %mul3A_866, %add3A_864 : vector<512x128xf32>
    %tanh3A_868 = math.tanh %mul3A_867 : vector<512x128xf32>
    %mul3A_869 = arith.constant 5.000000e-01 : f32
    %mul3A_870 = vector.broadcast %mul3A_869 : f32 to vector<512x128xf32>
    %mul3A_871 = arith.mulf %mul3A_870, %tanh3A_868 : vector<512x128xf32>
    %add3A_872 = arith.constant 5.000000e-01 : f32
    %add3A_873 = vector.broadcast %add3A_872 : f32 to vector<512x128xf32>
    %add3A_874 = arith.addf %mul3A_871, %add3A_873 : vector<512x128xf32>
    %slice3A_875 = vector.extract_strided_slice %dot_general3A_859 {offsets = [0, 128], sizes = [512, 128], strides = [1, 1]} : vector<512x384xf32> to vector<512x128xf32>
    %slice3A_876 = vector.extract_strided_slice %dot_general3A_849 {offsets = [0, 256], sizes = [512, 128], strides = [1, 1]} : vector<512x384xf32> to vector<512x128xf32>
    %add3A_877 = arith.addf %slice3A_875, %slice3A_876 : vector<512x128xf32>
    %add3A_878 = vector.broadcast %get3A_22 : vector<1x128xf32> to vector<512x128xf32>
    %add3A_879 = arith.addf %add3A_877, %add3A_878 : vector<512x128xf32>
    %mul3A_880 = arith.constant 5.000000e-01 : f32
    %mul3A_881 = vector.broadcast %mul3A_880 : f32 to vector<512x128xf32>
    %mul3A_882 = arith.mulf %mul3A_881, %add3A_879 : vector<512x128xf32>
    %tanh3A_883 = math.tanh %mul3A_882 : vector<512x128xf32>
    %mul3A_884 = arith.constant 5.000000e-01 : f32
    %mul3A_885 = vector.broadcast %mul3A_884 : f32 to vector<512x128xf32>
    %mul3A_886 = arith.mulf %mul3A_885, %tanh3A_883 : vector<512x128xf32>
    %add3A_887 = arith.constant 5.000000e-01 : f32
    %add3A_888 = vector.broadcast %add3A_887 : f32 to vector<512x128xf32>
    %add3A_889 = arith.addf %mul3A_886, %add3A_888 : vector<512x128xf32>
    %slice3A_890 = vector.extract_strided_slice %dot_general3A_859 {offsets = [0, 256], sizes = [512, 128], strides = [1, 1]} : vector<512x384xf32> to vector<512x128xf32>
    %mul3A_891 = arith.mulf %add3A_889, %mul3A_846 : vector<512x128xf32>
    %convert_element_type3A_892 = arith.truncf %mul3A_891 : vector<512x128xf32> to vector<512x128xbf16>
    %dot_general3A_893 = arith.constant dense<0.000000e+00> : vector<512x128xf32>
    %dot_general3A_894 = tpu.matmul %convert_element_type3A_892, %convert_element_type3A_9, %dot_general3A_893 {dimension_numbers = #tpu.dot_dimension_numbers<[1], [0], [0], [1], [0, 0, 1, 1], [], []>, transpose_lhs_hint = false} : vector<512x128xbf16>, vector<128x128xbf16>, vector<512x128xf32> -> vector<512x128xf32>
    %add3A_895 = arith.addf %slice3A_890, %dot_general3A_894 : vector<512x128xf32>
    %add3A_896 = vector.broadcast %get3A_25 : vector<1x128xf32> to vector<512x128xf32>
    %add3A_897 = arith.addf %add3A_895, %add3A_896 : vector<512x128xf32>
    %tanh3A_898 = math.tanh %add3A_897 : vector<512x128xf32>
    %sub3A_899 = arith.constant 1.000000e+00 : f32
    %sub3A_900 = vector.broadcast %sub3A_899 : f32 to vector<512x128xf32>
    %sub3A_901 = arith.subf %sub3A_900, %add3A_874 : vector<512x128xf32>
    %mul3A_902 = arith.mulf %sub3A_901, %mul3A_846 : vector<512x128xf32>
    %mul3A_903 = arith.mulf %add3A_874, %tanh3A_898 : vector<512x128xf32>
    %add3A_904 = arith.addf %mul3A_902, %mul3A_903 : vector<512x128xf32>
    %mul3A_905 = vector.broadcast %convert_element_type3A_704 : vector<512x1xf32> to vector<512x128xf32>
    %mul3A_906 = arith.mulf %add3A_904, %mul3A_905 : vector<512x128xf32>
    %convert_element_type3A_907 = arith.truncf %mul3A_906 : vector<512x128xf32> to vector<512x128xbf16>
    %dot_general3A_908 = arith.constant dense<0.000000e+00> : vector<512x1xf32>
    %dot_general3A_909 = tpu.matmul %convert_element_type3A_907, %convert_element_type3A_13, %dot_general3A_908 {dimension_numbers = #tpu.dot_dimension_numbers<[1], [0], [0], [1], [0, 0, 1, 1], [], []>, transpose_lhs_hint = false} : vector<512x128xbf16>, vector<128x1xbf16>, vector<512x1xf32> -> vector<512x1xf32>
    %get3A_910 = arith.constant 0 : index
    %get3A_911 = memref.load %arg2[%get3A_910] : memref<1xf32, #tpu.memory_space<smem>>
    %add3A_912 = vector.broadcast %get3A_911 : f32 to vector<512x1xf32>
    %add3A_913 = arith.addf %dot_general3A_909, %add3A_912 : vector<512x1xf32>
    %swap3A_914 = arith.constant 3 : index
    %swap3A_915 = arith.constant 0 : index
    %swap3A_916 = arith.constant 0 : index
    %swap3A_917 = vector.load %arg10[%swap3A_914, %swap3A_915, %swap3A_916] : memref<4x512x1xf32, #tpu.memory_space<vmem>>, vector<1x512x1xf32>
    %swap3A_918 = vector.shape_cast %swap3A_917 : vector<1x512x1xf32> to vector<512x1xf32>
    %swap3A_919 = vector.shape_cast %add3A_913 : vector<512x1xf32> to vector<1x512x1xf32>
    tpu.vector_store %arg10[%swap3A_914, %swap3A_915, %swap3A_916], %swap3A_919 {strides = array<i32>} : memref<4x512x1xf32, #tpu.memory_space<vmem>>, vector<1x512x1xf32>,
    return
  }
  func.func @transform_0(%arg0: i32) -> (i32, i32) {
    %c0_i32 = arith.constant 0 : i32
    %c0_i32_0 = arith.constant 0 : i32
    %c0_i32_1 = arith.constant 0 : i32
    return %c0_i32, %c0_i32_0 : i32, i32
  }
  func.func @transform_1(%arg0: i32) -> i32 {
    %c0_i32 = arith.constant 0 : i32
    %c0_i32_0 = arith.constant 0 : i32
    return %c0_i32 : i32
  }
  func.func @transform_2(%arg0: i32) -> (i32, i32, i32) {
    %c0_i32 = arith.constant 0 : i32
    %c0_i32_0 = arith.constant 0 : i32
    %c0_i32_1 = arith.constant 0 : i32
    return %arg0, %c0_i32, %c0_i32_0 : i32, i32, i32
  }
  func.func @transform_3(%arg0: i32) -> (i32, i32, i32) {
    %c0_i32 = arith.constant 0 : i32
    %c0_i32_0 = arith.constant 0 : i32
    %c0_i32_1 = arith.constant 0 : i32
    return %arg0, %c0_i32, %c0_i32_0 : i32, i32, i32
  }
  func.func @transform_4(%arg0: i32) -> (i32, i32) {
    %c0_i32 = arith.constant 0 : i32
    %c0_i32_0 = arith.constant 0 : i32
    %c0_i32_1 = arith.constant 0 : i32
    return %c0_i32, %c0_i32_0 : i32, i32
  }
  func.func @transform_5(%arg0: i32) -> (i32, i32) {
    %c0_i32 = arith.constant 0 : i32
    %c0_i32_0 = arith.constant 0 : i32
    %c0_i32_1 = arith.constant 0 : i32
    return %c0_i32, %c0_i32_0 : i32, i32
  }
  func.func @transform_6(%arg0: i32) -> (i32, i32) {
    %c0_i32 = arith.constant 0 : i32
    %c0_i32_0 = arith.constant 0 : i32
    %c0_i32_1 = arith.constant 0 : i32
    return %c0_i32, %c0_i32_0 : i32, i32
  }
  func.func @transform_7(%arg0: i32) -> (i32, i32) {
    %c0_i32 = arith.constant 0 : i32
    %c0_i32_0 = arith.constant 0 : i32
    %c0_i32_1 = arith.constant 0 : i32
    return %c0_i32, %c0_i32_0 : i32, i32
  }
  func.func @transform_8(%arg0: i32) -> (i32, i32) {
    %c0_i32 = arith.constant 0 : i32
    %c0_i32_0 = arith.constant 0 : i32
    %c0_i32_1 = arith.constant 0 : i32
    return %c0_i32, %c0_i32_0 : i32, i32
  }
  func.func @transform_9(%arg0: i32) -> (i32, i32, i32) {
    %c0_i32 = arith.constant 0 : i32
    %c0_i32_0 = arith.constant 0 : i32
    %c0_i32_1 = arith.constant 0 : i32
    return %arg0, %c0_i32, %c0_i32_0 : i32, i32, i32
  }
}

</mosaic_0001>

<sc_bundles>
// kernel: kernel.4.cloned.1.call-start
scs
__scs_entry_jumppad:
0x0: {  	(pc) =	sbr.rel $0x88, $3  }
0x1: {  	(tag) =	ssettag $0x0;
	lr =	simm.s32 $0x1  }
0x2: {  	[smem:$0x3F90] =	sst lr;
	_ =	strace $0xD0000000  }
0x3: {  	_ = 	snop  }
0x4: {  	_ = 	snop  }
0x5: {  	_ = 	snop  }
0x6: {  	_ = 	snop  }
0x7: {  	_ = 	snop  }
__scs_overlays_trampoline_lowered:
0x8: {  	[smem:$0x3F9F] =	sst s0  }
0x9: {  	[smem:$0x3FA0] =	sst s1  }
0xa: {  	[smem:$0x3FA1] =	sst s2  }
0xb: {  	[smem:$0x3FA2] =	sst s3  }
0xc: {  	[smem:$0x3FA3] =	sst s4  }
0xd: {  	[smem:$0x3FA4] =	sst s5  }
0xe: {  	[smem:$0x3FA5] =	sst s6  }
0xf: {  	[smem:$0x3FA6] =	sst s7  }
0x10: {  	[smem:$0x3FA7] =	sst s8  }
0x11: {  	[smem:$0x3FA8] =	sst s9;
	s0 =	simm.s32 @!p0 $0x0  }
0x12: {  	s1 =	sld [smem:$0x3F8E];
	s0 =	simm.s32 @p0 $0x1  }
0x13: {  	[smem:$0x3FA9] =	sst s0;
	s0 =	simm.s32 @!p1 $0x0  }
0x14: {  	s2 =	sld [smem:$0x3F8D];
	s0 =	simm.s32 @p1 $0x1  }
0x15: {  	[smem:$0x3FAA] =	sst s0;
	s0 =	simm.s32 @!p2 $0x0  }
0x16: {  	s3 =	sld [smem:$0x3FDB];
	s0 =	simm.s32 @p2 $0x1  }
0x17: {  	s4 =	simm.s32 $0x1BF5;
	[smem:$0x3FAC] =	sst s0  }
0x18: {  	s0 =	sld [smem:$0x3F8F];
	_ =	swait.ge [sflag:s4], $0x0  }
0x19: {  	s7 =	sld [smem:$0x3F90]  }
0x1a: {  	s8 =	sadd.s32 $0xFFFFE003, lr  }
0x1b: {  	s9 =	sadd.s32 $0xFFFFFEF7, lr;
	s5 =	simm.s32 $0xFFFFFFFF;
	p2 =	slt.u32 s8, $0xFFFFF086  }
0x1c: {  	p1 =	slt.u32 s9, $0xF7A;
	s5 =	simm.s32 @!p2 $0x0  }
0x1d: {  	s5 =	simm.s32 @p1 $0x1;
	p0 =	seq.s32 s7, s2  }
0x1e: {  	s7 =	smul.u32 @!p0 $0xF7A, s2;
	p2 =	seq.s32 @!p0 s5, $0x0  }
0x1f: {  	s9 =	smul.u32 $0xF7A, s1;
	s8 =	simm.s32 @!p0 $0x1BF5;
	p2 =	por !p2, p0  }
0x20: {  	[sflag:s8] =	ssyncset.s32 @!p0 $0xFFFFF086;
	s6 =	sadd.s32 @!p0 s3, s7;
	s7 =	simm.s32 @!p0 $0x108  }
0x21: {  	s3 =	sadd.s32 s3, s9;
	s6 =	sadd.s32 @!p0 $0x88, s6;
	s7 =	simm.s32 @p2 $0x1082  }
0x22: {  	[simem:s7], [sflag:s8] =	dma.local @!p0 [hbm:s6], $0xF7A  }
0x23: {  	s9 =	sor.u32 $0xD0000000, s2;
	s6 =	simm.s32 $0x108;
	_ =	swait.ge @!p0 [sflag:s8], $0x0  }
0x24: {  	s3 =	sadd.s32 $0x88, s3;
	s6 =	simm.s32 @!p1 $0x1082;
	[sflag:s4] =	ssyncset.s32 $0xFFFFF086  }
0x25: {  	[simem:s6], [sflag:s4] =	dma.local [hbm:s3], $0xF7A  }
0x26: {  	[smem:$0x3F90] =	sst s1;
	(tag) =	ssettag s2;
	_ =	strace s9  }
0x27: {  	s1 =	sld [smem:$0x3FA0]  }
0x28: {  	s2 =	sld [smem:$0x3FA1]  }
0x29: {  	s4 =	sld [smem:$0x3FA3]  }
0x2a: {  	p0 =	seq.s32 s5, $0x0;
	s5 =	sld [smem:$0x3FA4]  }
0x2b: {  	s6 =	sld [smem:$0x3FA5]  }
0x2c: {  	s7 =	sld [smem:$0x3FA6]  }
0x2d: {  	s3 =	simm.s32 $0x108;
	s8 =	sld [smem:$0x3FA7]  }
0x2e: {  	s3 =	simm.s32 @!p0 $0x1082;
	s9 =	sld [smem:$0x3FA8]  }
0x2f: {  	lr =	sadd.s32 s0, s3;
	s0 =	sld [smem:$0x3F9F]  }
0x30: {  	s3 =	sld [smem:$0x3FA2]  }
0x31: {  	[smem:$0x3FAB] =	sst s10  }
0x32: {  	s10 =	sld [smem:$0x3FA9];
	_ =	sdelay $0x3  }
0x33: {  	p0 =	seq.s32 s10, $0x1;
	s10 =	sld [smem:$0x3FAB];
	_ =	sdelay $0x3  }
0x34: {  	[smem:$0x3FAB] =	sst s10  }
0x35: {  	s10 =	sld [smem:$0x3FAA];
	_ =	sdelay $0x3  }
0x36: {  	p1 =	seq.s32 s10, $0x1;
	s10 =	sld [smem:$0x3FAB];
	_ =	sdelay $0x3  }
0x37: {  	[smem:$0x3FAB] =	sst s10  }
0x38: {  	s10 =	sld [smem:$0x3FAC]  }
0x39: {  	_ = 	snop;
	(pc) =	sbr.ind lr, $3  }
0x3a: {  	_ = 	snop  }
0x3b: {  	_ = 	snop  }
0x3c: {  	p2 =	seq.s32 s10, $0x1;
	s10 =	sld [smem:$0x3FAB]  }
0x3d: {  	_ =	shalt  }
0x3e: {  	_ =	shalt  }
0x3f: {  	_ =	shalt  }
0x40: {  	_ =	shalt  }
0x41: {  	_ =	shalt  }
0x42: {  	_ =	shalt  }
0x43: {  	_ =	shalt  }
0x44: {  	_ =	shalt  }
0x45: {  	_ =	shalt  }
0x46: {  	_ =	shalt  }
0x47: {  	_ =	shalt  }
0x48: {  	_ =	shalt  }
0x49: {  	_ =	shalt  }
0x4a: {  	_ =	shalt  }
0x4b: {  	_ =	shalt  }
0x4c: {  	_ =	shalt  }
0x4d: {  	_ =	shalt  }
0x4e: {  	_ =	shalt  }
0x4f: {  	_ =	shalt  }
0x50: {  	_ =	shalt  }
0x51: {  	_ =	shalt  }
0x52: {  	_ =	shalt  }
0x53: {  	_ =	shalt  }
0x54: {  	_ =	shalt  }
0x55: {  	_ =	shalt  }
0x56: {  	_ =	shalt  }
0x57: {  	_ =	shalt  }
0x58: {  	_ =	shalt  }
0x59: {  	_ =	shalt  }
0x5a: {  	_ =	shalt  }
0x5b: {  	_ =	shalt  }
0x5c: {  	_ =	shalt  }
0x5d: {  	_ =	shalt  }
0x5e: {  	_ =	shalt  }
0x5f: {  	_ =	shalt  }
0x60: {  	_ =	shalt  }
0x61: {  	_ =	shalt  }
0x62: {  	_ =	shalt  }
0x63: {  	_ =	shalt  }
0x64: {  	_ =	shalt  }
0x65: {  	_ =	shalt  }
0x66: {  	_ =	shalt  }
0x67: {  	_ =	shalt  }
0x68: {  	_ =	shalt  }
0x69: {  	_ =	shalt  }
0x6a: {  	_ =	shalt  }
0x6b: {  	_ =	shalt  }
0x6c: {  	_ =	shalt  }
0x6d: {  	_ =	shalt  }
0x6e: {  	_ =	shalt  }
0x6f: {  	_ =	shalt  }
0x70: {  	_ =	shalt  }
0x71: {  	_ =	shalt  }
0x72: {  	_ =	shalt  }
0x73: {  	_ =	shalt  }
0x74: {  	_ =	shalt  }
0x75: {  	_ =	shalt  }
0x76: {  	_ =	shalt  }
0x77: {  	_ =	shalt  }
0x78: {  	_ =	shalt  }
0x79: {  	_ =	shalt  }
0x7a: {  	_ =	shalt  }
0x7b: {  	_ =	shalt  }
0x7c: {  	_ =	shalt  }
0x7d: {  	_ =	shalt  }
0x7e: {  	_ =	shalt  }
0x7f: {  	_ =	shalt  }
0x80: {  	_ =	shalt  }
0x81: {  	_ =	shalt  }
0x82: {  	_ =	shalt  }
0x83: {  	_ =	shalt  }
0x84: {  	_ =	shalt  }
0x85: {  	_ =	shalt  }
0x86: {  	_ =	shalt  }
0x87: {  	_ =	shalt  }
.Lfunc_end0:
.L_simem_size_0:
called_computation_lowered:
.L_overlay_start_0:
0x88: {  	s2 =	sld [smem:$0x3FD9]  }
0x89: {  	s3 =	sld [smem:$0x3FFE];
	_ =	sdelay $0x1  }
0x8a: {  	s1 =	srdreg.scid  }
0x8b: {  	s0 =	sand.u32 $0x1, s1  }
0x8c: {  	s17 =	sshll.u32 s0, $0xA;
	s2 =	sadd.s32 s3, s2  }
0x8d: {  	s2 =	sadd.s32 s2, s17  }
0x8e: {  	[smem:$0x3FB7] =	sst s2  }
0x8f: {  	_ = 	snop  }
0x90: {  	s2 =	sld [smem:$0x3FC6]  }
0x91: {  	s18 =	sld [smem:$0x3FD0];
	(tm) =	ssettm $0x1  }
0x92: {  	s4 =	sld [smem:$0x3FFB];
	_ =	sdelay $0x3  }
0x93: {  	_ =	strace s4  }
0x94: {  	s4 =	sld [smem:$0x3FFC];
	_ =	sdelay $0x3  }
0x95: {  	_ =	strace s4  }
0x96: {  	s4 =	sld [smem:$0x3FFD];
	_ =	sdelay $0x3  }
0x97: {  	_ =	strace s4  }
0x98: {  	_ =	strace $0x8FFFFFFF  }
0x99: {  	s19 =	sld [smem:$0x3FDB];
	_ =	sdelay $0x1  }
0x9a: {  	s5 =	simm.s32 $_scs_section_size  }
0x9b: {  	s6 =	simm.s32 $_size__tile_overlayer_lowered;
	s7 =	simm.s32 $_tile_overlayer_lowered  }
0x9c: {  	s22 =	simm.s32 $0x1BFF;
	s21 =	sshll.u32 s7, $0x1;
	s4 =	sadd.s32 s5, s19  }
0x9d: {  	s8 =	simm.s32 $0x0;
	s20 =	sshll.u32 s6, $0x1;
	s6 =	sadd.s32 s21, s4  }
0x9e: {  	[timem:s8], [sflag:s22] =	dma.local [hbm:s6], s20  }
0x9f: {  	_ =	swait.ge [sflag:s22], s20  }
0xa0: {  	s5 =	ssub.s32 $0x0, s20;
	[sflag:s22] =	ssyncset.done $0x0  }
0xa1: {  	[sflag:s22] =	ssyncadd.s32 s5;
	_ =	sdelay $0x1  }
0xa2: {  	s23 =	simm.s32 $0x1B8B  }
0xa3: {  	_ =	swait.ge [sflag:s23], $0x1  }
0xa4: {  	[sflag:s23] =	ssyncset.done $0x0  }
0xa5: {  	s25 =	simm.s32 $0x1B8E;
	s24 =	sld [smem:$0x3FFE];
	[sflag:s23] =	ssyncadd.s32 $0xFFFFFFFF  }
0xa6: {  	s26 =	simm.s32 $execute0_lowered;
	[smem:$0x3FD2] =	sst s25  }
0xa7: {  	s6 =	sshll.u32 s26, $0x1;
	_ =	strace $0x80000046;
	[dreg:$0x1] =	wrdreg $0xFFFFFFFF  }
0xa8: {  	s28 =	simm.s32 $_size_execute0_lowered;
	s4 =	sadd.s32 s4, s6;
	[dreg:$0x0] =	wrdreg $0x0  }
0xa9: {  	s6 =	sshll.u32 s28, $0x1;
	[dreg:$0x2] =	wrdreg s4  }
0xaa: {  	[dreg:$0x3] =	wrdreg s6  }
0xab: {  	[dreg:$0x4] =	wrdreg $0xC0  }
0xac: {  	_ =	task [dreg:s8], $0x5FFFF  }
0xad: {  	[dreg:$0x1] =	wrdreg $0xFFFFFFFF  }
0xae: {  	[dreg:$0x0] =	wrdreg $0x60  }
0xaf: {  	[dreg:$0x2] =	wrdreg s2  }
0xb0: {  	[dreg:$0x3] =	wrdreg s18  }
0xb1: {  	[dreg:$0x4] =	wrdreg s24  }
0xb2: {  	[dreg:$0x5] =	wrdreg $0x9  }
0xb3: {  	_ =	task.clear_ibuf [dreg:s8], $0x6FFFF;
	_ =	strace $0x90000046  }
0xb4: {  	s29 =	simm.s32 $0x9;
	_ =	strace $0x80000048  }
0xb5: {  	_ =	swait.ge [sflag:s29], $0x1  }
0xb6: {  	[sflag:s29] =	ssyncadd.s32 $0xFFFFFFFF  }
0xb7: {  	_ =	strace $0x90000048  }
0xb8: {  	_ =	sfence  }
0xb9: {  	s30 =	sld [smem:$0x0];
	_ =	sdelay $0x2  }
0xba: {  	s31 =	sshll.u32 s1, $0xD;
	s1 =	sshrl.u32 s1, $0x2  }
0xbb: {  	s3 =	sand.u32 $0x4000, s31;
	s1 =	sadd.s32 s1, s30  }
0xbc: {  	s0 =	sor.u32 s3, s0;
	s1 =	sshll.u32 s1, $0x11  }
0xbd: {  	s0 =	sor.u32 s1, s0  }
0xbe: {  	s0 =	sadd.s32 $0x8F2B, s0  }
0xbf: {  	[sflag:s0] =	ssyncadd.remote.s32 $0x1  }
0xc0: {  	_ =	sfence.sel $0xFFFF  }
0xc1: {  	[dreg:$0x0] =	wrdreg $0xFFFFFFFF;
	(pc) =	sbr.abs _section_cstart, $3  }
0xc2: {  	[dreg:$0x1] =	wrdreg $0xFFFFFFFF  }
0xc3: {  	_ =	task.clear_ibuf [dreg:s8], $0x2FFFF;
	_ =	strace $0x9FFFFFFF  }
0xc4: {  	(tm) =	ssettm $0x7FFFFFFF  }
0xc5: {  	_ =	shalt  }
tec
execute0_lowered:
.L_overlay_start_1:
0x0: {  	(tag) =	ssettag $0x1  }
0x1: {  	s2 =	rddreg [dreg:$0x0]  }
0x2: {  	s4 =	rddreg [dreg:$0x1]  }
0x3: {  	s1 =	srdreg.scid;
	s0 =	stileid.u32  }
0x4: {  	s10 =	rddreg [dreg:$0x2];
	s11 =	sand.u32 $0x1, s1;
	s5 =	sshll.u32 s0, $0x1  }
0x5: {  	s3 =	simm.s32 $0x0;
	s1 =	rddreg [dreg:$0x3];
	s12 =	sor.u32 s11, s5  }
0x6: {  	[smem:$0x7FF] =	sst s3;
	s5 =	sshll.u32 s12, $0x5  }
0x7: {  	_ =	strace $0x80000047;
	s5 =	sadd.s32 s4, s5;
	s4 =	simm.s32 $0x2  }
0x8: {  	[tilespmem:s3], [sflag:$0x2] =	stream.linear.gather [hbm4b:s5+s3], $0x100, $0x38;
	[tilespmem:$0x8100] =	vst v63  }
0x9: {  	_ =	swait.ge [sflag:s4], $0x100  }
0xa: {  	[sflag:s4] =	ssyncset.done $0x0  }
0xb: {  	s6 =	simm.s32 $0x80;
	s7 =	simm.s32 $0x100;
	[sflag:s4] =	ssyncadd.s32 $0xFFFFFF00  }
0xc: {  	[tilespmem:s7], [sflag:$0x1] =	stream.indirect.gather [hbm4b:s2+s6], $0x80, s3, s6, $0xb8;
	[tilespmem:$0x8100] =	vst v63  }
0xd: {  	s8 =	simm.s32 $0x4100;
	s9 =	simm.s32 $0x1;
	s11 =	ssub.s32 $0x2, s11  }
0xe: {  	[tilespmem:s8], [sflag:$0x1] =	stream.indirect.gather [hbm4b:s2+s6], $0x80, s6, s6, $0xb8;
	[tilespmem:$0x8100] =	vst v63  }
0xf: {  	s13 =	sshrl.u32 s11, $0x1;
	_ =	swait.ge [sflag:s9], $0x4000  }
0x10: {  	s11 =	ssub.s32 s11, s13;
	[sflag:s9] =	ssyncset.done $0x0  }
0x11: {  	s11 =	smax.u32 s11, $0x1;
	[sflag:s9] =	ssyncadd.s32 $0xFFFFC000  }
0x12: {  	s12 =	sshll.u32 s12, $0xC;
	p0 =	sne.s32 s11, $0x1;
	_ =	swait.ge [sflag:s9], $0x4000  }
.Ltmp0:
0x13: {  	s10 =	sadd.s32 s12, s10;
	[sflag:s9] =	ssyncset.done $0x0;
	(pc) =	sbr.rel @!p0 .LBB2_2-.Ltmp0, $4  }
0x14: {  	s10 =	sadd.s32 $0x1E00, s10;
	[sflag:s9] =	ssyncadd.s32 $0xFFFFC000  }
0x15: {  	[hbm4b:s10+s3] =	stream.linear.scatter [tilespmem:s7], [sflag:$0x2], $0x8000, $0x38;
	[tilespmem:$0x8100] =	vst v63  }
0x16: {  	_ =	swait.ge [sflag:s4], $0x8000  }
0x17: {  	s11 =	sadd.s32 $0xFFFFFFFF, s11;
	[sflag:s4] =	ssyncset.done $0x0  }
.LBB2_1:
0x18: {  	p0 =	sne.s32 s11, $0x1;
	s11 =	sadd.s32 $0xFFFFFFFF, s11;
	[sflag:s4] =	ssyncadd.s32 $0xFFFF8000  }
0x19: {  	[tilespmem:s3], [sflag:$0x2] =	stream.linear.gather [hbm4b:s5+s3], $0x100, $0x38;
	[tilespmem:$0x8100] =	vst v63  }
0x1a: {  	_ =	swait.ge [sflag:s4], $0x100  }
0x1b: {  	[sflag:s4] =	ssyncset.done $0x0  }
0x1c: {  	[sflag:s4] =	ssyncadd.s32 $0xFFFFFF00  }
0x1d: {  	[tilespmem:s7], [sflag:$0x1] =	stream.indirect.gather [hbm4b:s2+s6], $0x80, s3, s6, $0xb8;
	[tilespmem:$0x8100] =	vst v63  }
0x1e: {  	_ = 	snop  }
0x1f: {  	[tilespmem:s8], [sflag:$0x1] =	stream.indirect.gather [hbm4b:s2+s6], $0x80, s6, s6, $0xb8;
	[tilespmem:$0x8100] =	vst v63  }
0x20: {  	_ =	swait.ge [sflag:s9], $0x4000  }
0x21: {  	[sflag:s9] =	ssyncset.done $0x0  }
0x22: {  	[sflag:s9] =	ssyncadd.s32 $0xFFFFC000  }
0x23: {  	_ =	swait.ge [sflag:s9], $0x4000  }
.Ltmp1:
0x24: {  	[sflag:s9] =	ssyncset.done $0x0;
	(pc) =	sbr.rel @p0 .LBB2_1-.Ltmp1, $4  }
0x25: {  	[sflag:s9] =	ssyncadd.s32 $0xFFFFC000  }
0x26: {  	[hbm4b:s10+s3] =	stream.linear.scatter [tilespmem:s7], [sflag:$0x2], $0x8000, $0x38;
	[tilespmem:$0x8100] =	vst v63  }
0x27: {  	_ =	swait.ge [sflag:s4], $0x8000  }
0x28: {  	[sflag:s4] =	ssyncset.done $0x0  }
.LBB2_2:
0x29: {  	[sflag:s4] =	ssyncadd.s32 $0xFFFF8000  }
0x2a: {  	_ =	sfence.sel $0x180000  }
0x2b: {  	[bflag:$0x0] =	sbarrier.arrive $0xFFFF  }
0x2c: {  	p0 =	sne.s32 s0, $0x0;
	_ =	strace $0x90000047  }
0x2d: {  	s0 =	sadd.s32 @!p0 $0x100000, s1;
	[bflag:$0x2] =	sbarrier.arrive $0xFFFF  }
0x2e: {  	[sflag:s0] =	ssyncadd.tile.s32 @!p0 $0x1;
	_ =	shalt  }
.Lfunc_end2:
_tile_overlayer_lowered:
.L_overlay_start_2:
0x2f: {  	(tag) =	ssettag $0x2  }
0x30: {  	s0 =	rddreg [dreg:$0x0];
	s2 =	stileid.u32  }
0x31: {  	s1 =	rddreg [dreg:$0x1];
	p0 =	sne.s32 s2, $0x0  }
0x32: {  	s3 =	rddreg [dreg:$0x2];
	[bflag:$0x3] =	sbarrier.arrive $0xFFFF;
	s2 =	simm.s32 @!p0 $0x1C02  }
0x33: {  	[timem:s3], [sflag:s2] =	dma.local @!p0 [hbm:s0], s1  }
0x34: {  	s0 =	simm.s32 @!p0 $0x2  }
0x35: {  	_ =	swait.ge @!p0 [sflag:s0], s1  }
0x36: {  	s1 =	ssub.s32 @!p0 $0x0, s1;
	[sflag:s0] =	ssyncset.done @!p0 $0x0  }
0x37: {  	[sflag:s0] =	ssyncadd.s32 @!p0 s1  }
0x38: {  	[bflag:$0x3] =	sbarrier.arrive $0xFFFF  }
0x39: {  	_ =	shalt  }

</sc_bundles>
